<compile_context>
chip_gen: v7x
topology: tpu7x:2x2x1
jax: 0.10.2.dev20260603
libtpu: 0.0.44.dev20260713+nightly
codegen_flags: <defaults>
</compile_context>

<pallas_src>
import functools

import jax
import jax.numpy as jnp
from jax import lax
from jax.experimental import pallas as pl
from jax.experimental.pallas import tpu as pltpu
from jax.experimental.pallas import tpu_sc as plsc

NC, NS = 2, 16
NW = NC * NS
S, T = 4, 4096
D = 1024
BPW = (S * T) // NW
WPS = T // BPW
CHUNK = 56
NFULL = BPW // CHUNK
TAIL = BPW - NFULL * CHUNK
SIZES = [CHUNK] * NFULL + ([TAIL] if TAIL else [])
OFFS = [i * CHUNK for i in range(NFULL)] + ([NFULL * CHUNK] if TAIL else [])

_mesh = plsc.VectorSubcoreMesh(
    core_axis_name="c", subcore_axis_name="s", num_cores=NC, num_subcores=NS
)


@functools.partial(
    pl.kernel,
    out_type=jax.ShapeDtypeStruct((S, T, D), jnp.float32),
    mesh=_mesh,
    scratch_types=[
        pltpu.VMEM((2, CHUNK), jnp.int32),
        pltpu.VMEM((max(TAIL,8),), jnp.int32),
        pltpu.VMEM((2, CHUNK, D), jnp.float32),
        pltpu.VMEM((max(TAIL,8), D), jnp.float32),
        pltpu.SemaphoreType.DMA,
        pltpu.SemaphoreType.DMA,
        pltpu.SemaphoreType.DMA,
        pltpu.SemaphoreType.DMA,
        pltpu.SemaphoreType.DMA,
        pltpu.SemaphoreType.DMA,
        pltpu.SemaphoreType.DMA,
    ],
)
def _embed(tokens_hbm, table_hbm, out_hbm, idx_v, idxt_v, rows_v, rowst_v,
           i0, i1, it, g0, g1, s0, s1):
    isems = (i0, i1)
    gsems = (g0, g1)
    ssems = (s0, s1)
    wid = lax.axis_index("s") * NC + lax.axis_index("c")
    seq = wid // WPS
    col0 = (wid % WPS) * BPW
    nch = len(SIZES)

    def ids_src(c):
        return tokens_hbm.at[pl.ds(seq * T + col0 + OFFS[c], SIZES[c])]

    def idx_ref(c, j):
        return idxt_v if (TAIL and c == nch - 1) else idx_v.at[j]

    def buf(c, j):
        if SIZES[c] == CHUNK:
            return rows_v.at[j]
        return rowst_v.at[pl.ds(0, SIZES[c])]

    def icopy(c, j):
        sem = it if (TAIL and c == nch - 1) else isems[j]
        return pltpu.make_async_copy(ids_src(c), idx_ref(c, j), sem)

    def gather(c, j):
        return pltpu.make_async_copy(
            table_hbm.at[idx_ref(c, j)], buf(c, j), gsems[j]
        )

    def store(c, j):
        return pltpu.make_async_copy(
            buf(c, j), out_hbm.at[seq, pl.ds(col0 + OFFS[c], SIZES[c])], ssems[j]
        )

    icopy(0, 0).start()
    icopy(1, 1).start()
    if TAIL:
        icopy(nch - 1, (nch - 1) % 2).start()
    for j in range(2):
        icopy(j, j).wait()
        gather(j, j).start()

    for c in range(nch):
        j = c % 2
        nc = c + 2
        gather(c, j).wait()
        if nc < nch - 1:
            icopy(nc, j).start()
        store(c, j).start()
        if nc < nch:
            store(c, j).wait()
            icopy(nc, j).wait()
            gather(nc, j).start()

    for c in range(nch - 2, nch):
        store(c, c % 2).wait()


def kernel(tokens, W_E):
    return _embed(tokens.reshape(-1), W_E)

# --- scband reference (transcript-rebuilt; emitter-appended) ---
"""Pipeline reference for scband-embed-188978561650 (READ-ONLY COPY).

The authoritative reference and input builder live on the scoring server;
editing this copy changes nothing except your own understanding.
"""

import jax, jax.numpy as jnp
import numpy as np

D_VOCAB = 100000
D_MODEL = 1024
INIT_RANGE = 0.02


def setup_inputs(seed: int = 0) -> dict:
    key = jax.random.key(seed)
    k_tok, k_w = jax.random.split(key)
    tokens = jax.random.randint(k_tok, (4, 4096), 0, D_VOCAB, dtype=jnp.int64 if jax.config.jax_enable_x64 else jnp.int32)
    W_E = jax.random.normal(k_w, (D_VOCAB, D_MODEL), dtype=jnp.float32) * INIT_RANGE
    return {"tokens": tokens, "W_E": W_E}


def reference(tokens, W_E):
    # embed = self.W_E[tokens, :]
    embed = jnp.take(W_E, tokens, axis=0)
    return embed

if __name__ == "__main__":
    import jax
    _d = setup_inputs()
    print(jax.jit(kernel)(*tuple(_d.values())))

</pallas_src>

<mosaic_0001>
#map = affine_map<(d0, d1) -> (0)>
#map1 = affine_map<(d0, d1) -> (0, 0)>
#map2 = affine_map<(d0, d1) -> (0, 0, 0)>
module attributes {stable_mosaic.version = 14 : i64} {
  func.func @_embed(%arg0: i32, %arg1: i32, %arg2: memref<16384xi32, #tpu.memory_space<hbm>>, %arg3: memref<100000x1024xf32, #tpu.memory_space<hbm>>, %arg4: memref<4x4096x1024xf32, #tpu.memory_space<hbm>>, %arg5: memref<2x56xi32, #tpu.memory_space<vmem>>, %arg6: memref<8xi32, #tpu.memory_space<vmem>>, %arg7: memref<2x56x1024xf32, #tpu.memory_space<vmem>>, %arg8: memref<8x1024xf32, #tpu.memory_space<vmem>>, %arg9: memref<!tpu.dma_semaphore, #tpu.memory_space<semaphore_mem>>, %arg10: memref<!tpu.dma_semaphore, #tpu.memory_space<semaphore_mem>>, %arg11: memref<!tpu.dma_semaphore, #tpu.memory_space<semaphore_mem>>, %arg12: memref<!tpu.dma_semaphore, #tpu.memory_space<semaphore_mem>>, %arg13: memref<!tpu.dma_semaphore, #tpu.memory_space<semaphore_mem>>, %arg14: memref<!tpu.dma_semaphore, #tpu.memory_space<semaphore_mem>>, %arg15: memref<!tpu.dma_semaphore, #tpu.memory_space<semaphore_mem>>) attributes {dimension_semantics = [#tpu.dimension_semantics<core_parallel>, #tpu.dimension_semantics<subcore_parallel>], iteration_bounds = array<i64: 2, 16>, scalar_prefetch = 0 : i64, scratch_operands = 11 : i64, tpu.core_type = #tpu.core_type<sc_vector_subcore>, window_params = [{transform_indices = #map}, {transform_indices = #map1}, {transform_indices = #map2}]} {
    %mul3A = arith.constant 2 : i32
    %mul3A_0 = arith.muli %arg1, %mul3A : i32
    %add3A = arith.addi %mul3A_0, %arg0 : i32
    %jit3A = arith.constant 8 : i32
    %div3A = arith.divsi %add3A, %jit3A : i32
    %sign3A = arith.constant 0 : i32
    %sign3A_1 = arith.cmpi sgt, %add3A, %sign3A : i32
    %sign3A_2 = arith.extui %sign3A_1 : i1 to i32
    %sign3A_3 = arith.constant 0 : i32
    %sign3A_4 = arith.cmpi slt, %add3A, %sign3A_3 : i32
    %sign3A_5 = arith.extui %sign3A_4 : i1 to i32
    %sign3A_6 = arith.subi %sign3A_2, %sign3A_5 : i32
    %sign3A_7 = arith.constant 0 : i32
    %sign3A_8 = arith.cmpi sgt, %jit3A, %sign3A_7 : i32
    %sign3A_9 = arith.extui %sign3A_8 : i1 to i32
    %sign3A_10 = arith.constant 0 : i32
    %sign3A_11 = arith.cmpi slt, %jit3A, %sign3A_10 : i32
    %sign3A_12 = arith.extui %sign3A_11 : i1 to i32
    %sign3A_13 = arith.subi %sign3A_9, %sign3A_12 : i32
    %ne3A = arith.cmpi ne, %sign3A_6, %sign3A_13 : i32
    %rem3A = arith.remsi %add3A, %jit3A : i32
    %ne3A_14 = arith.constant 0 : i32
    %ne3A_15 = arith.cmpi ne, %rem3A, %ne3A_14 : i32
    %and3A = arith.andi %ne3A, %ne3A_15 : i1
    %sub3A = arith.constant 1 : i32
    %sub3A_16 = arith.subi %div3A, %sub3A : i32
    %select_n3A = arith.select %and3A, %sub3A_16, %div3A : i32
    %jit3A_17 = arith.constant 8 : i32
    %eq3A = arith.constant 0 : i32
    %eq3A_18 = arith.cmpi eq, %jit3A_17, %eq3A : i32
    %jit3A_19 = arith.constant 1 : i32
    %select_n3A_20 = arith.select %eq3A_18, %jit3A_19, %jit3A_17 : i32
    %rem3A_21 = arith.remsi %add3A, %select_n3A_20 : i32
    %ne3A_22 = arith.constant 0 : i32
    %ne3A_23 = arith.cmpi ne, %rem3A_21, %ne3A_22 : i32
    %lt3A = arith.constant 0 : i32
    %lt3A_24 = arith.cmpi slt, %rem3A_21, %lt3A : i32
    %lt3A_25 = arith.constant 0 : i32
    %lt3A_26 = arith.cmpi slt, %select_n3A_20, %lt3A_25 : i32
    %ne3A_27 = arith.xori %lt3A_24, %lt3A_26 : i1
    %and3A_28 = arith.andi %ne3A_27, %ne3A_23 : i1
    %add3A_29 = arith.addi %rem3A_21, %select_n3A_20 : i32
    %select_n3A_30 = arith.select %and3A_28, %add3A_29, %rem3A_21 : i32
    %mul3A_31 = arith.constant 512 : i32
    %mul3A_32 = arith.muli %select_n3A_30, %mul3A_31 : i32
    %mul3A_33 = arith.constant 4096 : i32
    %mul3A_34 = arith.muli %select_n3A, %mul3A_33 : i32
    %add3A_35 = arith.addi %mul3A_34, %mul3A_32 : i32
    %add3A_36 = arith.constant 0 : i32
    %add3A_37 = arith.addi %add3A_35, %add3A_36 : i32
    %dma_start3A = arith.constant 0 : i32
    %dma_start3A_38 = arith.constant 0 : i32
    %dma_start3A_39 = tpu.memref_slice %arg5[%dma_start3A, %dma_start3A_38] : memref<2x56xi32, #tpu.memory_space<vmem>> -> memref<1x56xi32, #tpu.memory_space<vmem>>
    %dma_start3A_40 = tpu.memref_squeeze %dma_start3A_39 : memref<1x56xi32, #tpu.memory_space<vmem>> -> memref<56xi32, #tpu.memory_space<vmem>>
    %dma_start3A_41 = tpu.memref_slice %arg2[%add3A_37] : memref<16384xi32, #tpu.memory_space<hbm>> -> memref<56xi32, #tpu.memory_space<hbm>>
    %dma_start3A_42 = arith.constant 0 : i32
    %dma_start3A_43 = tpu.memref_slice %arg5[%dma_start3A, %dma_start3A_42] : memref<2x56xi32, #tpu.memory_space<vmem>> -> memref<1x56xi32, #tpu.memory_space<vmem>>
    %dma_start3A_44 = tpu.memref_squeeze %dma_start3A_43 : memref<1x56xi32, #tpu.memory_space<vmem>> -> memref<56xi32, #tpu.memory_space<vmem>>
    %dma_start3A_45 = tpu.memref_slice %arg2[%add3A_37] : memref<16384xi32, #tpu.memory_space<hbm>> -> memref<56xi32, #tpu.memory_space<hbm>>
    tpu.enqueue_dma source(%dma_start3A_45 : memref<56xi32, #tpu.memory_space<hbm>>) target(%dma_start3A_44 : memref<56xi32, #tpu.memory_space<vmem>>) target_semaphore(%arg9 : memref<!tpu.dma_semaphore, #tpu.memory_space<semaphore_mem>>)
    %mul3A_46 = arith.constant 4096 : i32
    %mul3A_47 = arith.muli %select_n3A, %mul3A_46 : i32
    %add3A_48 = arith.addi %mul3A_47, %mul3A_32 : i32
    %add3A_49 = arith.constant 56 : i32
    %add3A_50 = arith.addi %add3A_48, %add3A_49 : i32
    %dma_start3A_51 = arith.constant 1 : i32
    %dma_start3A_52 = arith.constant 0 : i32
    %dma_start3A_53 = tpu.memref_slice %arg5[%dma_start3A_51, %dma_start3A_52] : memref<2x56xi32, #tpu.memory_space<vmem>> -> memref<1x56xi32, #tpu.memory_space<vmem>>
    %dma_start3A_54 = tpu.memref_squeeze %dma_start3A_53 : memref<1x56xi32, #tpu.memory_space<vmem>> -> memref<56xi32, #tpu.memory_space<vmem>>
    %dma_start3A_55 = tpu.memref_slice %arg2[%add3A_50] : memref<16384xi32, #tpu.memory_space<hbm>> -> memref<56xi32, #tpu.memory_space<hbm>>
    %dma_start3A_56 = arith.constant 0 : i32
    %dma_start3A_57 = tpu.memref_slice %arg5[%dma_start3A_51, %dma_start3A_56] : memref<2x56xi32, #tpu.memory_space<vmem>> -> memref<1x56xi32, #tpu.memory_space<vmem>>
    %dma_start3A_58 = tpu.memref_squeeze %dma_start3A_57 : memref<1x56xi32, #tpu.memory_space<vmem>> -> memref<56xi32, #tpu.memory_space<vmem>>
    %dma_start3A_59 = tpu.memref_slice %arg2[%add3A_50] : memref<16384xi32, #tpu.memory_space<hbm>> -> memref<56xi32, #tpu.memory_space<hbm>>
    tpu.enqueue_dma source(%dma_start3A_59 : memref<56xi32, #tpu.memory_space<hbm>>) target(%dma_start3A_58 : memref<56xi32, #tpu.memory_space<vmem>>) target_semaphore(%arg10 : memref<!tpu.dma_semaphore, #tpu.memory_space<semaphore_mem>>)
    %mul3A_60 = arith.constant 4096 : i32
    %mul3A_61 = arith.muli %select_n3A, %mul3A_60 : i32
    %add3A_62 = arith.addi %mul3A_61, %mul3A_32 : i32
    %add3A_63 = arith.constant 504 : i32
    %add3A_64 = arith.addi %add3A_62, %add3A_63 : i32
    %dma_start3A_65 = tpu.memref_slice %arg2[%add3A_64] : memref<16384xi32, #tpu.memory_space<hbm>> -> memref<8xi32, #tpu.memory_space<hbm>>
    %dma_start3A_66 = tpu.memref_slice %arg2[%add3A_64] : memref<16384xi32, #tpu.memory_space<hbm>> -> memref<8xi32, #tpu.memory_space<hbm>>
    tpu.enqueue_dma source(%dma_start3A_66 : memref<8xi32, #tpu.memory_space<hbm>>) target(%arg6 : memref<8xi32, #tpu.memory_space<vmem>>) target_semaphore(%arg11 : memref<!tpu.dma_semaphore, #tpu.memory_space<semaphore_mem>>)
    %mul3A_67 = arith.constant 4096 : i32
    %mul3A_68 = arith.muli %select_n3A, %mul3A_67 : i32
    %add3A_69 = arith.addi %mul3A_68, %mul3A_32 : i32
    %add3A_70 = arith.constant 0 : i32
    %add3A_71 = arith.addi %add3A_69, %add3A_70 : i32
    %dma_wait3A = arith.constant 0 : i32
    %dma_wait3A_72 = arith.constant 0 : i32
    %dma_wait3A_73 = tpu.memref_slice %arg5[%dma_wait3A, %dma_wait3A_72] : memref<2x56xi32, #tpu.memory_space<vmem>> -> memref<1x56xi32, #tpu.memory_space<vmem>>
    %dma_wait3A_74 = tpu.memref_squeeze %dma_wait3A_73 : memref<1x56xi32, #tpu.memory_space<vmem>> -> memref<56xi32, #tpu.memory_space<vmem>>
    %dma_wait3A_75 = tpu.memref_slice %arg2[%add3A_71] : memref<16384xi32, #tpu.memory_space<hbm>> -> memref<56xi32, #tpu.memory_space<hbm>>
    %dma_wait3A_76 = arith.constant 0 : i32
    %dma_wait3A_77 = tpu.memref_slice %arg5[%dma_wait3A, %dma_wait3A_76] : memref<2x56xi32, #tpu.memory_space<vmem>> -> memref<1x56xi32, #tpu.memory_space<vmem>>
    %dma_wait3A_78 = tpu.memref_squeeze %dma_wait3A_77 : memref<1x56xi32, #tpu.memory_space<vmem>> -> memref<56xi32, #tpu.memory_space<vmem>>
    %dma_wait3A_79 = tpu.memref_slice %arg2[%add3A_71] : memref<16384xi32, #tpu.memory_space<hbm>> -> memref<56xi32, #tpu.memory_space<hbm>>
    tpu.wait_dma2 semaphore(%arg9 : memref<!tpu.dma_semaphore, #tpu.memory_space<semaphore_mem>>) src(%dma_wait3A_79 : memref<56xi32, #tpu.memory_space<hbm>>) dst(%dma_wait3A_78 : memref<56xi32, #tpu.memory_space<vmem>>)
    %dma_start3A_80 = arith.constant 0 : i32
    %dma_start3A_81 = arith.constant 0 : i32
    %dma_start3A_82 = arith.constant 0 : i32
    %dma_start3A_83 = arith.constant 0 : i32
    %dma_start3A_84 = tpu.memref_slice %arg7[%dma_start3A_81, %dma_start3A_82, %dma_start3A_83] : memref<2x56x1024xf32, #tpu.memory_space<vmem>> -> memref<1x56x1024xf32, #tpu.memory_space<vmem>>
    %dma_start3A_85 = tpu.memref_squeeze %dma_start3A_84 : memref<1x56x1024xf32, #tpu.memory_space<vmem>> -> memref<56x1024xf32, #tpu.memory_space<vmem>>
    %dma_start3A_86 = arith.constant 0 : i32
    %dma_start3A_87 = tpu.memref_slice %arg5[%dma_start3A_80, %dma_start3A_86] : memref<2x56xi32, #tpu.memory_space<vmem>> -> memref<1x56xi32, #tpu.memory_space<vmem>>
    %dma_start3A_88 = tpu.memref_squeeze %dma_start3A_87 : memref<1x56xi32, #tpu.memory_space<vmem>> -> memref<56xi32, #tpu.memory_space<vmem>>
    %dma_start3A_89 = arith.constant 0 : i32
    %dma_start3A_90 = arith.constant 0 : i32
    %dma_start3A_91 = tpu.memref_slice %arg3[%dma_start3A_89, %dma_start3A_90] : memref<100000x1024xf32, #tpu.memory_space<hbm>> -> memref<100000x1024xf32, #tpu.memory_space<hbm>>
    tpu.enqueue_indirect_dma source(%dma_start3A_91 : memref<100000x1024xf32, #tpu.memory_space<hbm>>) target(%dma_start3A_85 : memref<56x1024xf32, #tpu.memory_space<vmem>>) offsets(%dma_start3A_88 : memref<56xi32, #tpu.memory_space<vmem>>) semaphore(%arg12 : memref<!tpu.dma_semaphore, #tpu.memory_space<semaphore_mem>>)
    %mul3A_92 = arith.constant 4096 : i32
    %mul3A_93 = arith.muli %select_n3A, %mul3A_92 : i32
    %add3A_94 = arith.addi %mul3A_93, %mul3A_32 : i32
    %add3A_95 = arith.constant 56 : i32
    %add3A_96 = arith.addi %add3A_94, %add3A_95 : i32
    %dma_wait3A_97 = arith.constant 1 : i32
    %dma_wait3A_98 = arith.constant 0 : i32
    %dma_wait3A_99 = tpu.memref_slice %arg5[%dma_wait3A_97, %dma_wait3A_98] : memref<2x56xi32, #tpu.memory_space<vmem>> -> memref<1x56xi32, #tpu.memory_space<vmem>>
    %dma_wait3A_100 = tpu.memref_squeeze %dma_wait3A_99 : memref<1x56xi32, #tpu.memory_space<vmem>> -> memref<56xi32, #tpu.memory_space<vmem>>
    %dma_wait3A_101 = tpu.memref_slice %arg2[%add3A_96] : memref<16384xi32, #tpu.memory_space<hbm>> -> memref<56xi32, #tpu.memory_space<hbm>>
    %dma_wait3A_102 = arith.constant 0 : i32
    %dma_wait3A_103 = tpu.memref_slice %arg5[%dma_wait3A_97, %dma_wait3A_102] : memref<2x56xi32, #tpu.memory_space<vmem>> -> memref<1x56xi32, #tpu.memory_space<vmem>>
    %dma_wait3A_104 = tpu.memref_squeeze %dma_wait3A_103 : memref<1x56xi32, #tpu.memory_space<vmem>> -> memref<56xi32, #tpu.memory_space<vmem>>
    %dma_wait3A_105 = tpu.memref_slice %arg2[%add3A_96] : memref<16384xi32, #tpu.memory_space<hbm>> -> memref<56xi32, #tpu.memory_space<hbm>>
    tpu.wait_dma2 semaphore(%arg10 : memref<!tpu.dma_semaphore, #tpu.memory_space<semaphore_mem>>) src(%dma_wait3A_105 : memref<56xi32, #tpu.memory_space<hbm>>) dst(%dma_wait3A_104 : memref<56xi32, #tpu.memory_space<vmem>>)
    %dma_start3A_106 = arith.constant 1 : i32
    %dma_start3A_107 = arith.constant 1 : i32
    %dma_start3A_108 = arith.constant 0 : i32
    %dma_start3A_109 = arith.constant 0 : i32
    %dma_start3A_110 = tpu.memref_slice %arg7[%dma_start3A_107, %dma_start3A_108, %dma_start3A_109] : memref<2x56x1024xf32, #tpu.memory_space<vmem>> -> memref<1x56x1024xf32, #tpu.memory_space<vmem>>
    %dma_start3A_111 = tpu.memref_squeeze %dma_start3A_110 : memref<1x56x1024xf32, #tpu.memory_space<vmem>> -> memref<56x1024xf32, #tpu.memory_space<vmem>>
    %dma_start3A_112 = arith.constant 0 : i32
    %dma_start3A_113 = tpu.memref_slice %arg5[%dma_start3A_106, %dma_start3A_112] : memref<2x56xi32, #tpu.memory_space<vmem>> -> memref<1x56xi32, #tpu.memory_space<vmem>>
    %dma_start3A_114 = tpu.memref_squeeze %dma_start3A_113 : memref<1x56xi32, #tpu.memory_space<vmem>> -> memref<56xi32, #tpu.memory_space<vmem>>
    %dma_start3A_115 = arith.constant 0 : i32
    %dma_start3A_116 = arith.constant 0 : i32
    %dma_start3A_117 = tpu.memref_slice %arg3[%dma_start3A_115, %dma_start3A_116] : memref<100000x1024xf32, #tpu.memory_space<hbm>> -> memref<100000x1024xf32, #tpu.memory_space<hbm>>
    tpu.enqueue_indirect_dma source(%dma_start3A_117 : memref<100000x1024xf32, #tpu.memory_space<hbm>>) target(%dma_start3A_111 : memref<56x1024xf32, #tpu.memory_space<vmem>>) offsets(%dma_start3A_114 : memref<56xi32, #tpu.memory_space<vmem>>) semaphore(%arg13 : memref<!tpu.dma_semaphore, #tpu.memory_space<semaphore_mem>>)
    %dma_wait3A_118 = arith.constant 0 : i32
    %dma_wait3A_119 = arith.constant 0 : i32
    %dma_wait3A_120 = arith.constant 0 : i32
    %dma_wait3A_121 = arith.constant 0 : i32
    %dma_wait3A_122 = tpu.memref_slice %arg7[%dma_wait3A_119, %dma_wait3A_120, %dma_wait3A_121] : memref<2x56x1024xf32, #tpu.memory_space<vmem>> -> memref<1x56x1024xf32, #tpu.memory_space<vmem>>
    %dma_wait3A_123 = tpu.memref_squeeze %dma_wait3A_122 : memref<1x56x1024xf32, #tpu.memory_space<vmem>> -> memref<56x1024xf32, #tpu.memory_space<vmem>>
    %dma_wait3A_124 = arith.constant 0 : i32
    %dma_wait3A_125 = tpu.memref_slice %arg5[%dma_wait3A_118, %dma_wait3A_124] : memref<2x56xi32, #tpu.memory_space<vmem>> -> memref<1x56xi32, #tpu.memory_space<vmem>>
    %dma_wait3A_126 = tpu.memref_squeeze %dma_wait3A_125 : memref<1x56xi32, #tpu.memory_space<vmem>> -> memref<56xi32, #tpu.memory_space<vmem>>
    %dma_wait3A_127 = arith.constant 0 : i32
    %dma_wait3A_128 = arith.constant 0 : i32
    %dma_wait3A_129 = tpu.memref_slice %arg3[%dma_wait3A_127, %dma_wait3A_128] : memref<100000x1024xf32, #tpu.memory_space<hbm>> -> memref<100000x1024xf32, #tpu.memory_space<hbm>>
    tpu.wait_indirect_dma semaphore(%arg12 : memref<!tpu.dma_semaphore, #tpu.memory_space<semaphore_mem>>) src(%dma_wait3A_129 : memref<100000x1024xf32, #tpu.memory_space<hbm>>) dst(%dma_wait3A_123 : memref<56x1024xf32, #tpu.memory_space<vmem>>)
    %mul3A_130 = arith.constant 4096 : i32
    %mul3A_131 = arith.muli %select_n3A, %mul3A_130 : i32
    %add3A_132 = arith.addi %mul3A_131, %mul3A_32 : i32
    %add3A_133 = arith.constant 112 : i32
    %add3A_134 = arith.addi %add3A_132, %add3A_133 : i32
    %dma_start3A_135 = arith.constant 0 : i32
    %dma_start3A_136 = arith.constant 0 : i32
    %dma_start3A_137 = tpu.memref_slice %arg5[%dma_start3A_135, %dma_start3A_136] : memref<2x56xi32, #tpu.memory_space<vmem>> -> memref<1x56xi32, #tpu.memory_space<vmem>>
    %dma_start3A_138 = tpu.memref_squeeze %dma_start3A_137 : memref<1x56xi32, #tpu.memory_space<vmem>> -> memref<56xi32, #tpu.memory_space<vmem>>
    %dma_start3A_139 = tpu.memref_slice %arg2[%add3A_134] : memref<16384xi32, #tpu.memory_space<hbm>> -> memref<56xi32, #tpu.memory_space<hbm>>
    %dma_start3A_140 = arith.constant 0 : i32
    %dma_start3A_141 = tpu.memref_slice %arg5[%dma_start3A_135, %dma_start3A_140] : memref<2x56xi32, #tpu.memory_space<vmem>> -> memref<1x56xi32, #tpu.memory_space<vmem>>
    %dma_start3A_142 = tpu.memref_squeeze %dma_start3A_141 : memref<1x56xi32, #tpu.memory_space<vmem>> -> memref<56xi32, #tpu.memory_space<vmem>>
    %dma_start3A_143 = tpu.memref_slice %arg2[%add3A_134] : memref<16384xi32, #tpu.memory_space<hbm>> -> memref<56xi32, #tpu.memory_space<hbm>>
    tpu.enqueue_dma source(%dma_start3A_143 : memref<56xi32, #tpu.memory_space<hbm>>) target(%dma_start3A_142 : memref<56xi32, #tpu.memory_space<vmem>>) target_semaphore(%arg9 : memref<!tpu.dma_semaphore, #tpu.memory_space<semaphore_mem>>)
    %add3A_144 = arith.constant 0 : i32
    %add3A_145 = arith.addi %mul3A_32, %add3A_144 : i32
    %dma_start3A_146 = arith.constant 0 : i32
    %dma_start3A_147 = arith.constant 0 : i32
    %dma_start3A_148 = arith.constant 0 : i32
    %dma_start3A_149 = tpu.memref_slice %arg7[%dma_start3A_146, %dma_start3A_147, %dma_start3A_148] : memref<2x56x1024xf32, #tpu.memory_space<vmem>> -> memref<1x56x1024xf32, #tpu.memory_space<vmem>>
    %dma_start3A_150 = tpu.memref_squeeze %dma_start3A_149 : memref<1x56x1024xf32, #tpu.memory_space<vmem>> -> memref<56x1024xf32, #tpu.memory_space<vmem>>
    %dma_start3A_151 = arith.constant 0 : i32
    %dma_start3A_152 = tpu.memref_slice %arg4[%select_n3A, %add3A_145, %dma_start3A_151] : memref<4x4096x1024xf32, #tpu.memory_space<hbm>> -> memref<1x56x1024xf32, #tpu.memory_space<hbm>>
    %dma_start3A_153 = tpu.memref_squeeze %dma_start3A_152 : memref<1x56x1024xf32, #tpu.memory_space<hbm>> -> memref<56x1024xf32, #tpu.memory_space<hbm>>
    %dma_start3A_154 = arith.constant 0 : i32
    %dma_start3A_155 = tpu.memref_slice %arg4[%select_n3A, %add3A_145, %dma_start3A_154] : memref<4x4096x1024xf32, #tpu.memory_space<hbm>> -> memref<1x56x1024xf32, #tpu.memory_space<hbm>>
    %dma_start3A_156 = tpu.memref_squeeze %dma_start3A_155 : memref<1x56x1024xf32, #tpu.memory_space<hbm>> -> memref<56x1024xf32, #tpu.memory_space<hbm>>
    %dma_start3A_157 = arith.constant 0 : i32
    %dma_start3A_158 = arith.constant 0 : i32
    %dma_start3A_159 = tpu.memref_slice %arg7[%dma_start3A_146, %dma_start3A_157, %dma_start3A_158] : memref<2x56x1024xf32, #tpu.memory_space<vmem>> -> memref<1x56x1024xf32, #tpu.memory_space<vmem>>
    %dma_start3A_160 = tpu.memref_squeeze %dma_start3A_159 : memref<1x56x1024xf32, #tpu.memory_space<vmem>> -> memref<56x1024xf32, #tpu.memory_space<vmem>>
    tpu.enqueue_dma source(%dma_start3A_160 : memref<56x1024xf32, #tpu.memory_space<vmem>>) target(%dma_start3A_156 : memref<56x1024xf32, #tpu.memory_space<hbm>>) target_semaphore(%arg14 : memref<!tpu.dma_semaphore, #tpu.memory_space<semaphore_mem>>)
    %add3A_161 = arith.constant 0 : i32
    %add3A_162 = arith.addi %mul3A_32, %add3A_161 : i32
    %dma_wait3A_163 = arith.constant 0 : i32
    %dma_wait3A_164 = arith.constant 0 : i32
    %dma_wait3A_165 = arith.constant 0 : i32
    %dma_wait3A_166 = tpu.memref_slice %arg7[%dma_wait3A_163, %dma_wait3A_164, %dma_wait3A_165] : memref<2x56x1024xf32, #tpu.memory_space<vmem>> -> memref<1x56x1024xf32, #tpu.memory_space<vmem>>
    %dma_wait3A_167 = tpu.memref_squeeze %dma_wait3A_166 : memref<1x56x1024xf32, #tpu.memory_space<vmem>> -> memref<56x1024xf32, #tpu.memory_space<vmem>>
    %dma_wait3A_168 = arith.constant 0 : i32
    %dma_wait3A_169 = tpu.memref_slice %arg4[%select_n3A, %add3A_162, %dma_wait3A_168] : memref<4x4096x1024xf32, #tpu.memory_space<hbm>> -> memref<1x56x1024xf32, #tpu.memory_space<hbm>>
    %dma_wait3A_170 = tpu.memref_squeeze %dma_wait3A_169 : memref<1x56x1024xf32, #tpu.memory_space<hbm>> -> memref<56x1024xf32, #tpu.memory_space<hbm>>
    %dma_wait3A_171 = arith.constant 0 : i32
    %dma_wait3A_172 = tpu.memref_slice %arg4[%select_n3A, %add3A_162, %dma_wait3A_171] : memref<4x4096x1024xf32, #tpu.memory_space<hbm>> -> memref<1x56x1024xf32, #tpu.memory_space<hbm>>
    %dma_wait3A_173 = tpu.memref_squeeze %dma_wait3A_172 : memref<1x56x1024xf32, #tpu.memory_space<hbm>> -> memref<56x1024xf32, #tpu.memory_space<hbm>>
    %dma_wait3A_174 = arith.constant 0 : i32
    %dma_wait3A_175 = arith.constant 0 : i32
    %dma_wait3A_176 = tpu.memref_slice %arg7[%dma_wait3A_163, %dma_wait3A_174, %dma_wait3A_175] : memref<2x56x1024xf32, #tpu.memory_space<vmem>> -> memref<1x56x1024xf32, #tpu.memory_space<vmem>>
    %dma_wait3A_177 = tpu.memref_squeeze %dma_wait3A_176 : memref<1x56x1024xf32, #tpu.memory_space<vmem>> -> memref<56x1024xf32, #tpu.memory_space<vmem>>
    tpu.wait_dma2 semaphore(%arg14 : memref<!tpu.dma_semaphore, #tpu.memory_space<semaphore_mem>>) src(%dma_wait3A_177 : memref<56x1024xf32, #tpu.memory_space<vmem>>) dst(%dma_wait3A_173 : memref<56x1024xf32, #tpu.memory_space<hbm>>)
    %mul3A_178 = arith.constant 4096 : i32
    %mul3A_179 = arith.muli %select_n3A, %mul3A_178 : i32
    %add3A_180 = arith.addi %mul3A_179, %mul3A_32 : i32
    %add3A_181 = arith.constant 112 : i32
    %add3A_182 = arith.addi %add3A_180, %add3A_181 : i32
    %dma_wait3A_183 = arith.constant 0 : i32
    %dma_wait3A_184 = arith.constant 0 : i32
    %dma_wait3A_185 = tpu.memref_slice %arg5[%dma_wait3A_183, %dma_wait3A_184] : memref<2x56xi32, #tpu.memory_space<vmem>> -> memref<1x56xi32, #tpu.memory_space<vmem>>
    %dma_wait3A_186 = tpu.memref_squeeze %dma_wait3A_185 : memref<1x56xi32, #tpu.memory_space<vmem>> -> memref<56xi32, #tpu.memory_space<vmem>>
    %dma_wait3A_187 = tpu.memref_slice %arg2[%add3A_182] : memref<16384xi32, #tpu.memory_space<hbm>> -> memref<56xi32, #tpu.memory_space<hbm>>
    %dma_wait3A_188 = arith.constant 0 : i32
    %dma_wait3A_189 = tpu.memref_slice %arg5[%dma_wait3A_183, %dma_wait3A_188] : memref<2x56xi32, #tpu.memory_space<vmem>> -> memref<1x56xi32, #tpu.memory_space<vmem>>
    %dma_wait3A_190 = tpu.memref_squeeze %dma_wait3A_189 : memref<1x56xi32, #tpu.memory_space<vmem>> -> memref<56xi32, #tpu.memory_space<vmem>>
    %dma_wait3A_191 = tpu.memref_slice %arg2[%add3A_182] : memref<16384xi32, #tpu.memory_space<hbm>> -> memref<56xi32, #tpu.memory_space<hbm>>
    tpu.wait_dma2 semaphore(%arg9 : memref<!tpu.dma_semaphore, #tpu.memory_space<semaphore_mem>>) src(%dma_wait3A_191 : memref<56xi32, #tpu.memory_space<hbm>>) dst(%dma_wait3A_190 : memref<56xi32, #tpu.memory_space<vmem>>)
    %dma_start3A_192 = arith.constant 0 : i32
    %dma_start3A_193 = arith.constant 0 : i32
    %dma_start3A_194 = arith.constant 0 : i32
    %dma_start3A_195 = arith.constant 0 : i32
    %dma_start3A_196 = tpu.memref_slice %arg7[%dma_start3A_193, %dma_start3A_194, %dma_start3A_195] : memref<2x56x1024xf32, #tpu.memory_space<vmem>> -> memref<1x56x1024xf32, #tpu.memory_space<vmem>>
    %dma_start3A_197 = tpu.memref_squeeze %dma_start3A_196 : memref<1x56x1024xf32, #tpu.memory_space<vmem>> -> memref<56x1024xf32, #tpu.memory_space<vmem>>
    %dma_start3A_198 = arith.constant 0 : i32
    %dma_start3A_199 = tpu.memref_slice %arg5[%dma_start3A_192, %dma_start3A_198] : memref<2x56xi32, #tpu.memory_space<vmem>> -> memref<1x56xi32, #tpu.memory_space<vmem>>
    %dma_start3A_200 = tpu.memref_squeeze %dma_start3A_199 : memref<1x56xi32, #tpu.memory_space<vmem>> -> memref<56xi32, #tpu.memory_space<vmem>>
    %dma_start3A_201 = arith.constant 0 : i32
    %dma_start3A_202 = arith.constant 0 : i32
    %dma_start3A_203 = tpu.memref_slice %arg3[%dma_start3A_201, %dma_start3A_202] : memref<100000x1024xf32, #tpu.memory_space<hbm>> -> memref<100000x1024xf32, #tpu.memory_space<hbm>>
    tpu.enqueue_indirect_dma source(%dma_start3A_203 : memref<100000x1024xf32, #tpu.memory_space<hbm>>) target(%dma_start3A_197 : memref<56x1024xf32, #tpu.memory_space<vmem>>) offsets(%dma_start3A_200 : memref<56xi32, #tpu.memory_space<vmem>>) semaphore(%arg12 : memref<!tpu.dma_semaphore, #tpu.memory_space<semaphore_mem>>)
    %dma_wait3A_204 = arith.constant 1 : i32
    %dma_wait3A_205 = arith.constant 1 : i32
    %dma_wait3A_206 = arith.constant 0 : i32
    %dma_wait3A_207 = arith.constant 0 : i32
    %dma_wait3A_208 = tpu.memref_slice %arg7[%dma_wait3A_205, %dma_wait3A_206, %dma_wait3A_207] : memref<2x56x1024xf32, #tpu.memory_space<vmem>> -> memref<1x56x1024xf32, #tpu.memory_space<vmem>>
    %dma_wait3A_209 = tpu.memref_squeeze %dma_wait3A_208 : memref<1x56x1024xf32, #tpu.memory_space<vmem>> -> memref<56x1024xf32, #tpu.memory_space<vmem>>
    %dma_wait3A_210 = arith.constant 0 : i32
    %dma_wait3A_211 = tpu.memref_slice %arg5[%dma_wait3A_204, %dma_wait3A_210] : memref<2x56xi32, #tpu.memory_space<vmem>> -> memref<1x56xi32, #tpu.memory_space<vmem>>
    %dma_wait3A_212 = tpu.memref_squeeze %dma_wait3A_211 : memref<1x56xi32, #tpu.memory_space<vmem>> -> memref<56xi32, #tpu.memory_space<vmem>>
    %dma_wait3A_213 = arith.constant 0 : i32
    %dma_wait3A_214 = arith.constant 0 : i32
    %dma_wait3A_215 = tpu.memref_slice %arg3[%dma_wait3A_213, %dma_wait3A_214] : memref<100000x1024xf32, #tpu.memory_space<hbm>> -> memref<100000x1024xf32, #tpu.memory_space<hbm>>
    tpu.wait_indirect_dma semaphore(%arg13 : memref<!tpu.dma_semaphore, #tpu.memory_space<semaphore_mem>>) src(%dma_wait3A_215 : memref<100000x1024xf32, #tpu.memory_space<hbm>>) dst(%dma_wait3A_209 : memref<56x1024xf32, #tpu.memory_space<vmem>>)
    %mul3A_216 = arith.constant 4096 : i32
    %mul3A_217 = arith.muli %select_n3A, %mul3A_216 : i32
    %add3A_218 = arith.addi %mul3A_217, %mul3A_32 : i32
    %add3A_219 = arith.constant 168 : i32
    %add3A_220 = arith.addi %add3A_218, %add3A_219 : i32
    %dma_start3A_221 = arith.constant 1 : i32
    %dma_start3A_222 = arith.constant 0 : i32
    %dma_start3A_223 = tpu.memref_slice %arg5[%dma_start3A_221, %dma_start3A_222] : memref<2x56xi32, #tpu.memory_space<vmem>> -> memref<1x56xi32, #tpu.memory_space<vmem>>
    %dma_start3A_224 = tpu.memref_squeeze %dma_start3A_223 : memref<1x56xi32, #tpu.memory_space<vmem>> -> memref<56xi32, #tpu.memory_space<vmem>>
    %dma_start3A_225 = tpu.memref_slice %arg2[%add3A_220] : memref<16384xi32, #tpu.memory_space<hbm>> -> memref<56xi32, #tpu.memory_space<hbm>>
    %dma_start3A_226 = arith.constant 0 : i32
    %dma_start3A_227 = tpu.memref_slice %arg5[%dma_start3A_221, %dma_start3A_226] : memref<2x56xi32, #tpu.memory_space<vmem>> -> memref<1x56xi32, #tpu.memory_space<vmem>>
    %dma_start3A_228 = tpu.memref_squeeze %dma_start3A_227 : memref<1x56xi32, #tpu.memory_space<vmem>> -> memref<56xi32, #tpu.memory_space<vmem>>
    %dma_start3A_229 = tpu.memref_slice %arg2[%add3A_220] : memref<16384xi32, #tpu.memory_space<hbm>> -> memref<56xi32, #tpu.memory_space<hbm>>
    tpu.enqueue_dma source(%dma_start3A_229 : memref<56xi32, #tpu.memory_space<hbm>>) target(%dma_start3A_228 : memref<56xi32, #tpu.memory_space<vmem>>) target_semaphore(%arg10 : memref<!tpu.dma_semaphore, #tpu.memory_space<semaphore_mem>>)
    %add3A_230 = arith.constant 56 : i32
    %add3A_231 = arith.addi %mul3A_32, %add3A_230 : i32
    %dma_start3A_232 = arith.constant 1 : i32
    %dma_start3A_233 = arith.constant 0 : i32
    %dma_start3A_234 = arith.constant 0 : i32
    %dma_start3A_235 = tpu.memref_slice %arg7[%dma_start3A_232, %dma_start3A_233, %dma_start3A_234] : memref<2x56x1024xf32, #tpu.memory_space<vmem>> -> memref<1x56x1024xf32, #tpu.memory_space<vmem>>
    %dma_start3A_236 = tpu.memref_squeeze %dma_start3A_235 : memref<1x56x1024xf32, #tpu.memory_space<vmem>> -> memref<56x1024xf32, #tpu.memory_space<vmem>>
    %dma_start3A_237 = arith.constant 0 : i32
    %dma_start3A_238 = tpu.memref_slice %arg4[%select_n3A, %add3A_231, %dma_start3A_237] : memref<4x4096x1024xf32, #tpu.memory_space<hbm>> -> memref<1x56x1024xf32, #tpu.memory_space<hbm>>
    %dma_start3A_239 = tpu.memref_squeeze %dma_start3A_238 : memref<1x56x1024xf32, #tpu.memory_space<hbm>> -> memref<56x1024xf32, #tpu.memory_space<hbm>>
    %dma_start3A_240 = arith.constant 0 : i32
    %dma_start3A_241 = tpu.memref_slice %arg4[%select_n3A, %add3A_231, %dma_start3A_240] : memref<4x4096x1024xf32, #tpu.memory_space<hbm>> -> memref<1x56x1024xf32, #tpu.memory_space<hbm>>
    %dma_start3A_242 = tpu.memref_squeeze %dma_start3A_241 : memref<1x56x1024xf32, #tpu.memory_space<hbm>> -> memref<56x1024xf32, #tpu.memory_space<hbm>>
    %dma_start3A_243 = arith.constant 0 : i32
    %dma_start3A_244 = arith.constant 0 : i32
    %dma_start3A_245 = tpu.memref_slice %arg7[%dma_start3A_232, %dma_start3A_243, %dma_start3A_244] : memref<2x56x1024xf32, #tpu.memory_space<vmem>> -> memref<1x56x1024xf32, #tpu.memory_space<vmem>>
    %dma_start3A_246 = tpu.memref_squeeze %dma_start3A_245 : memref<1x56x1024xf32, #tpu.memory_space<vmem>> -> memref<56x1024xf32, #tpu.memory_space<vmem>>
    tpu.enqueue_dma source(%dma_start3A_246 : memref<56x1024xf32, #tpu.memory_space<vmem>>) target(%dma_start3A_242 : memref<56x1024xf32, #tpu.memory_space<hbm>>) target_semaphore(%arg15 : memref<!tpu.dma_semaphore, #tpu.memory_space<semaphore_mem>>)
    %add3A_247 = arith.constant 56 : i32
    %add3A_248 = arith.addi %mul3A_32, %add3A_247 : i32
    %dma_wait3A_249 = arith.constant 1 : i32
    %dma_wait3A_250 = arith.constant 0 : i32
    %dma_wait3A_251 = arith.constant 0 : i32
    %dma_wait3A_252 = tpu.memref_slice %arg7[%dma_wait3A_249, %dma_wait3A_250, %dma_wait3A_251] : memref<2x56x1024xf32, #tpu.memory_space<vmem>> -> memref<1x56x1024xf32, #tpu.memory_space<vmem>>
    %dma_wait3A_253 = tpu.memref_squeeze %dma_wait3A_252 : memref<1x56x1024xf32, #tpu.memory_space<vmem>> -> memref<56x1024xf32, #tpu.memory_space<vmem>>
    %dma_wait3A_254 = arith.constant 0 : i32
    %dma_wait3A_255 = tpu.memref_slice %arg4[%select_n3A, %add3A_248, %dma_wait3A_254] : memref<4x4096x1024xf32, #tpu.memory_space<hbm>> -> memref<1x56x1024xf32, #tpu.memory_space<hbm>>
    %dma_wait3A_256 = tpu.memref_squeeze %dma_wait3A_255 : memref<1x56x1024xf32, #tpu.memory_space<hbm>> -> memref<56x1024xf32, #tpu.memory_space<hbm>>
    %dma_wait3A_257 = arith.constant 0 : i32
    %dma_wait3A_258 = tpu.memref_slice %arg4[%select_n3A, %add3A_248, %dma_wait3A_257] : memref<4x4096x1024xf32, #tpu.memory_space<hbm>> -> memref<1x56x1024xf32, #tpu.memory_space<hbm>>
    %dma_wait3A_259 = tpu.memref_squeeze %dma_wait3A_258 : memref<1x56x1024xf32, #tpu.memory_space<hbm>> -> memref<56x1024xf32, #tpu.memory_space<hbm>>
    %dma_wait3A_260 = arith.constant 0 : i32
    %dma_wait3A_261 = arith.constant 0 : i32
    %dma_wait3A_262 = tpu.memref_slice %arg7[%dma_wait3A_249, %dma_wait3A_260, %dma_wait3A_261] : memref<2x56x1024xf32, #tpu.memory_space<vmem>> -> memref<1x56x1024xf32, #tpu.memory_space<vmem>>
    %dma_wait3A_263 = tpu.memref_squeeze %dma_wait3A_262 : memref<1x56x1024xf32, #tpu.memory_space<vmem>> -> memref<56x1024xf32, #tpu.memory_space<vmem>>
    tpu.wait_dma2 semaphore(%arg15 : memref<!tpu.dma_semaphore, #tpu.memory_space<semaphore_mem>>) src(%dma_wait3A_263 : memref<56x1024xf32, #tpu.memory_space<vmem>>) dst(%dma_wait3A_259 : memref<56x1024xf32, #tpu.memory_space<hbm>>)
    %mul3A_264 = arith.constant 4096 : i32
    %mul3A_265 = arith.muli %select_n3A, %mul3A_264 : i32
    %add3A_266 = arith.addi %mul3A_265, %mul3A_32 : i32
    %add3A_267 = arith.constant 168 : i32
    %add3A_268 = arith.addi %add3A_266, %add3A_267 : i32
    %dma_wait3A_269 = arith.constant 1 : i32
    %dma_wait3A_270 = arith.constant 0 : i32
    %dma_wait3A_271 = tpu.memref_slice %arg5[%dma_wait3A_269, %dma_wait3A_270] : memref<2x56xi32, #tpu.memory_space<vmem>> -> memref<1x56xi32, #tpu.memory_space<vmem>>
    %dma_wait3A_272 = tpu.memref_squeeze %dma_wait3A_271 : memref<1x56xi32, #tpu.memory_space<vmem>> -> memref<56xi32, #tpu.memory_space<vmem>>
    %dma_wait3A_273 = tpu.memref_slice %arg2[%add3A_268] : memref<16384xi32, #tpu.memory_space<hbm>> -> memref<56xi32, #tpu.memory_space<hbm>>
    %dma_wait3A_274 = arith.constant 0 : i32
    %dma_wait3A_275 = tpu.memref_slice %arg5[%dma_wait3A_269, %dma_wait3A_274] : memref<2x56xi32, #tpu.memory_space<vmem>> -> memref<1x56xi32, #tpu.memory_space<vmem>>
    %dma_wait3A_276 = tpu.memref_squeeze %dma_wait3A_275 : memref<1x56xi32, #tpu.memory_space<vmem>> -> memref<56xi32, #tpu.memory_space<vmem>>
    %dma_wait3A_277 = tpu.memref_slice %arg2[%add3A_268] : memref<16384xi32, #tpu.memory_space<hbm>> -> memref<56xi32, #tpu.memory_space<hbm>>
    tpu.wait_dma2 semaphore(%arg10 : memref<!tpu.dma_semaphore, #tpu.memory_space<semaphore_mem>>) src(%dma_wait3A_277 : memref<56xi32, #tpu.memory_space<hbm>>) dst(%dma_wait3A_276 : memref<56xi32, #tpu.memory_space<vmem>>)
    %dma_start3A_278 = arith.constant 1 : i32
    %dma_start3A_279 = arith.constant 1 : i32
    %dma_start3A_280 = arith.constant 0 : i32
    %dma_start3A_281 = arith.constant 0 : i32
    %dma_start3A_282 = tpu.memref_slice %arg7[%dma_start3A_279, %dma_start3A_280, %dma_start3A_281] : memref<2x56x1024xf32, #tpu.memory_space<vmem>> -> memref<1x56x1024xf32, #tpu.memory_space<vmem>>
    %dma_start3A_283 = tpu.memref_squeeze %dma_start3A_282 : memref<1x56x1024xf32, #tpu.memory_space<vmem>> -> memref<56x1024xf32, #tpu.memory_space<vmem>>
    %dma_start3A_284 = arith.constant 0 : i32
    %dma_start3A_285 = tpu.memref_slice %arg5[%dma_start3A_278, %dma_start3A_284] : memref<2x56xi32, #tpu.memory_space<vmem>> -> memref<1x56xi32, #tpu.memory_space<vmem>>
    %dma_start3A_286 = tpu.memref_squeeze %dma_start3A_285 : memref<1x56xi32, #tpu.memory_space<vmem>> -> memref<56xi32, #tpu.memory_space<vmem>>
    %dma_start3A_287 = arith.constant 0 : i32
    %dma_start3A_288 = arith.constant 0 : i32
    %dma_start3A_289 = tpu.memref_slice %arg3[%dma_start3A_287, %dma_start3A_288] : memref<100000x1024xf32, #tpu.memory_space<hbm>> -> memref<100000x1024xf32, #tpu.memory_space<hbm>>
    tpu.enqueue_indirect_dma source(%dma_start3A_289 : memref<100000x1024xf32, #tpu.memory_space<hbm>>) target(%dma_start3A_283 : memref<56x1024xf32, #tpu.memory_space<vmem>>) offsets(%dma_start3A_286 : memref<56xi32, #tpu.memory_space<vmem>>) semaphore(%arg13 : memref<!tpu.dma_semaphore, #tpu.memory_space<semaphore_mem>>)
    %dma_wait3A_290 = arith.constant 0 : i32
    %dma_wait3A_291 = arith.constant 0 : i32
    %dma_wait3A_292 = arith.constant 0 : i32
    %dma_wait3A_293 = arith.constant 0 : i32
    %dma_wait3A_294 = tpu.memref_slice %arg7[%dma_wait3A_291, %dma_wait3A_292, %dma_wait3A_293] : memref<2x56x1024xf32, #tpu.memory_space<vmem>> -> memref<1x56x1024xf32, #tpu.memory_space<vmem>>
    %dma_wait3A_295 = tpu.memref_squeeze %dma_wait3A_294 : memref<1x56x1024xf32, #tpu.memory_space<vmem>> -> memref<56x1024xf32, #tpu.memory_space<vmem>>
    %dma_wait3A_296 = arith.constant 0 : i32
    %dma_wait3A_297 = tpu.memref_slice %arg5[%dma_wait3A_290, %dma_wait3A_296] : memref<2x56xi32, #tpu.memory_space<vmem>> -> memref<1x56xi32, #tpu.memory_space<vmem>>
    %dma_wait3A_298 = tpu.memref_squeeze %dma_wait3A_297 : memref<1x56xi32, #tpu.memory_space<vmem>> -> memref<56xi32, #tpu.memory_space<vmem>>
    %dma_wait3A_299 = arith.constant 0 : i32
    %dma_wait3A_300 = arith.constant 0 : i32
    %dma_wait3A_301 = tpu.memref_slice %arg3[%dma_wait3A_299, %dma_wait3A_300] : memref<100000x1024xf32, #tpu.memory_space<hbm>> -> memref<100000x1024xf32, #tpu.memory_space<hbm>>
    tpu.wait_indirect_dma semaphore(%arg12 : memref<!tpu.dma_semaphore, #tpu.memory_space<semaphore_mem>>) src(%dma_wait3A_301 : memref<100000x1024xf32, #tpu.memory_space<hbm>>) dst(%dma_wait3A_295 : memref<56x1024xf32, #tpu.memory_space<vmem>>)
    %mul3A_302 = arith.constant 4096 : i32
    %mul3A_303 = arith.muli %select_n3A, %mul3A_302 : i32
    %add3A_304 = arith.addi %mul3A_303, %mul3A_32 : i32
    %add3A_305 = arith.constant 224 : i32
    %add3A_306 = arith.addi %add3A_304, %add3A_305 : i32
    %dma_start3A_307 = arith.constant 0 : i32
    %dma_start3A_308 = arith.constant 0 : i32
    %dma_start3A_309 = tpu.memref_slice %arg5[%dma_start3A_307, %dma_start3A_308] : memref<2x56xi32, #tpu.memory_space<vmem>> -> memref<1x56xi32, #tpu.memory_space<vmem>>
    %dma_start3A_310 = tpu.memref_squeeze %dma_start3A_309 : memref<1x56xi32, #tpu.memory_space<vmem>> -> memref<56xi32, #tpu.memory_space<vmem>>
    %dma_start3A_311 = tpu.memref_slice %arg2[%add3A_306] : memref<16384xi32, #tpu.memory_space<hbm>> -> memref<56xi32, #tpu.memory_space<hbm>>
    %dma_start3A_312 = arith.constant 0 : i32
    %dma_start3A_313 = tpu.memref_slice %arg5[%dma_start3A_307, %dma_start3A_312] : memref<2x56xi32, #tpu.memory_space<vmem>> -> memref<1x56xi32, #tpu.memory_space<vmem>>
    %dma_start3A_314 = tpu.memref_squeeze %dma_start3A_313 : memref<1x56xi32, #tpu.memory_space<vmem>> -> memref<56xi32, #tpu.memory_space<vmem>>
    %dma_start3A_315 = tpu.memref_slice %arg2[%add3A_306] : memref<16384xi32, #tpu.memory_space<hbm>> -> memref<56xi32, #tpu.memory_space<hbm>>
    tpu.enqueue_dma source(%dma_start3A_315 : memref<56xi32, #tpu.memory_space<hbm>>) target(%dma_start3A_314 : memref<56xi32, #tpu.memory_space<vmem>>) target_semaphore(%arg9 : memref<!tpu.dma_semaphore, #tpu.memory_space<semaphore_mem>>)
    %add3A_316 = arith.constant 112 : i32
    %add3A_317 = arith.addi %mul3A_32, %add3A_316 : i32
    %dma_start3A_318 = arith.constant 0 : i32
    %dma_start3A_319 = arith.constant 0 : i32
    %dma_start3A_320 = arith.constant 0 : i32
    %dma_start3A_321 = tpu.memref_slice %arg7[%dma_start3A_318, %dma_start3A_319, %dma_start3A_320] : memref<2x56x1024xf32, #tpu.memory_space<vmem>> -> memref<1x56x1024xf32, #tpu.memory_space<vmem>>
    %dma_start3A_322 = tpu.memref_squeeze %dma_start3A_321 : memref<1x56x1024xf32, #tpu.memory_space<vmem>> -> memref<56x1024xf32, #tpu.memory_space<vmem>>
    %dma_start3A_323 = arith.constant 0 : i32
    %dma_start3A_324 = tpu.memref_slice %arg4[%select_n3A, %add3A_317, %dma_start3A_323] : memref<4x4096x1024xf32, #tpu.memory_space<hbm>> -> memref<1x56x1024xf32, #tpu.memory_space<hbm>>
    %dma_start3A_325 = tpu.memref_squeeze %dma_start3A_324 : memref<1x56x1024xf32, #tpu.memory_space<hbm>> -> memref<56x1024xf32, #tpu.memory_space<hbm>>
    %dma_start3A_326 = arith.constant 0 : i32
    %dma_start3A_327 = tpu.memref_slice %arg4[%select_n3A, %add3A_317, %dma_start3A_326] : memref<4x4096x1024xf32, #tpu.memory_space<hbm>> -> memref<1x56x1024xf32, #tpu.memory_space<hbm>>
    %dma_start3A_328 = tpu.memref_squeeze %dma_start3A_327 : memref<1x56x1024xf32, #tpu.memory_space<hbm>> -> memref<56x1024xf32, #tpu.memory_space<hbm>>
    %dma_start3A_329 = arith.constant 0 : i32
    %dma_start3A_330 = arith.constant 0 : i32
    %dma_start3A_331 = tpu.memref_slice %arg7[%dma_start3A_318, %dma_start3A_329, %dma_start3A_330] : memref<2x56x1024xf32, #tpu.memory_space<vmem>> -> memref<1x56x1024xf32, #tpu.memory_space<vmem>>
    %dma_start3A_332 = tpu.memref_squeeze %dma_start3A_331 : memref<1x56x1024xf32, #tpu.memory_space<vmem>> -> memref<56x1024xf32, #tpu.memory_space<vmem>>
    tpu.enqueue_dma source(%dma_start3A_332 : memref<56x1024xf32, #tpu.memory_space<vmem>>) target(%dma_start3A_328 : memref<56x1024xf32, #tpu.memory_space<hbm>>) target_semaphore(%arg14 : memref<!tpu.dma_semaphore, #tpu.memory_space<semaphore_mem>>)
    %add3A_333 = arith.constant 112 : i32
    %add3A_334 = arith.addi %mul3A_32, %add3A_333 : i32
    %dma_wait3A_335 = arith.constant 0 : i32
    %dma_wait3A_336 = arith.constant 0 : i32
    %dma_wait3A_337 = arith.constant 0 : i32
    %dma_wait3A_338 = tpu.memref_slice %arg7[%dma_wait3A_335, %dma_wait3A_336, %dma_wait3A_337] : memref<2x56x1024xf32, #tpu.memory_space<vmem>> -> memref<1x56x1024xf32, #tpu.memory_space<vmem>>
    %dma_wait3A_339 = tpu.memref_squeeze %dma_wait3A_338 : memref<1x56x1024xf32, #tpu.memory_space<vmem>> -> memref<56x1024xf32, #tpu.memory_space<vmem>>
    %dma_wait3A_340 = arith.constant 0 : i32
    %dma_wait3A_341 = tpu.memref_slice %arg4[%select_n3A, %add3A_334, %dma_wait3A_340] : memref<4x4096x1024xf32, #tpu.memory_space<hbm>> -> memref<1x56x1024xf32, #tpu.memory_space<hbm>>
    %dma_wait3A_342 = tpu.memref_squeeze %dma_wait3A_341 : memref<1x56x1024xf32, #tpu.memory_space<hbm>> -> memref<56x1024xf32, #tpu.memory_space<hbm>>
    %dma_wait3A_343 = arith.constant 0 : i32
    %dma_wait3A_344 = tpu.memref_slice %arg4[%select_n3A, %add3A_334, %dma_wait3A_343] : memref<4x4096x1024xf32, #tpu.memory_space<hbm>> -> memref<1x56x1024xf32, #tpu.memory_space<hbm>>
    %dma_wait3A_345 = tpu.memref_squeeze %dma_wait3A_344 : memref<1x56x1024xf32, #tpu.memory_space<hbm>> -> memref<56x1024xf32, #tpu.memory_space<hbm>>
    %dma_wait3A_346 = arith.constant 0 : i32
    %dma_wait3A_347 = arith.constant 0 : i32
    %dma_wait3A_348 = tpu.memref_slice %arg7[%dma_wait3A_335, %dma_wait3A_346, %dma_wait3A_347] : memref<2x56x1024xf32, #tpu.memory_space<vmem>> -> memref<1x56x1024xf32, #tpu.memory_space<vmem>>
    %dma_wait3A_349 = tpu.memref_squeeze %dma_wait3A_348 : memref<1x56x1024xf32, #tpu.memory_space<vmem>> -> memref<56x1024xf32, #tpu.memory_space<vmem>>
    tpu.wait_dma2 semaphore(%arg14 : memref<!tpu.dma_semaphore, #tpu.memory_space<semaphore_mem>>) src(%dma_wait3A_349 : memref<56x1024xf32, #tpu.memory_space<vmem>>) dst(%dma_wait3A_345 : memref<56x1024xf32, #tpu.memory_space<hbm>>)
    %mul3A_350 = arith.constant 4096 : i32
    %mul3A_351 = arith.muli %select_n3A, %mul3A_350 : i32
    %add3A_352 = arith.addi %mul3A_351, %mul3A_32 : i32
    %add3A_353 = arith.constant 224 : i32
    %add3A_354 = arith.addi %add3A_352, %add3A_353 : i32
    %dma_wait3A_355 = arith.constant 0 : i32
    %dma_wait3A_356 = arith.constant 0 : i32
    %dma_wait3A_357 = tpu.memref_slice %arg5[%dma_wait3A_355, %dma_wait3A_356] : memref<2x56xi32, #tpu.memory_space<vmem>> -> memref<1x56xi32, #tpu.memory_space<vmem>>
    %dma_wait3A_358 = tpu.memref_squeeze %dma_wait3A_357 : memref<1x56xi32, #tpu.memory_space<vmem>> -> memref<56xi32, #tpu.memory_space<vmem>>
    %dma_wait3A_359 = tpu.memref_slice %arg2[%add3A_354] : memref<16384xi32, #tpu.memory_space<hbm>> -> memref<56xi32, #tpu.memory_space<hbm>>
    %dma_wait3A_360 = arith.constant 0 : i32
    %dma_wait3A_361 = tpu.memref_slice %arg5[%dma_wait3A_355, %dma_wait3A_360] : memref<2x56xi32, #tpu.memory_space<vmem>> -> memref<1x56xi32, #tpu.memory_space<vmem>>
    %dma_wait3A_362 = tpu.memref_squeeze %dma_wait3A_361 : memref<1x56xi32, #tpu.memory_space<vmem>> -> memref<56xi32, #tpu.memory_space<vmem>>
    %dma_wait3A_363 = tpu.memref_slice %arg2[%add3A_354] : memref<16384xi32, #tpu.memory_space<hbm>> -> memref<56xi32, #tpu.memory_space<hbm>>
    tpu.wait_dma2 semaphore(%arg9 : memref<!tpu.dma_semaphore, #tpu.memory_space<semaphore_mem>>) src(%dma_wait3A_363 : memref<56xi32, #tpu.memory_space<hbm>>) dst(%dma_wait3A_362 : memref<56xi32, #tpu.memory_space<vmem>>)
    %dma_start3A_364 = arith.constant 0 : i32
    %dma_start3A_365 = arith.constant 0 : i32
    %dma_start3A_366 = arith.constant 0 : i32
    %dma_start3A_367 = arith.constant 0 : i32
    %dma_start3A_368 = tpu.memref_slice %arg7[%dma_start3A_365, %dma_start3A_366, %dma_start3A_367] : memref<2x56x1024xf32, #tpu.memory_space<vmem>> -> memref<1x56x1024xf32, #tpu.memory_space<vmem>>
    %dma_start3A_369 = tpu.memref_squeeze %dma_start3A_368 : memref<1x56x1024xf32, #tpu.memory_space<vmem>> -> memref<56x1024xf32, #tpu.memory_space<vmem>>
    %dma_start3A_370 = arith.constant 0 : i32
    %dma_start3A_371 = tpu.memref_slice %arg5[%dma_start3A_364, %dma_start3A_370] : memref<2x56xi32, #tpu.memory_space<vmem>> -> memref<1x56xi32, #tpu.memory_space<vmem>>
    %dma_start3A_372 = tpu.memref_squeeze %dma_start3A_371 : memref<1x56xi32, #tpu.memory_space<vmem>> -> memref<56xi32, #tpu.memory_space<vmem>>
    %dma_start3A_373 = arith.constant 0 : i32
    %dma_start3A_374 = arith.constant 0 : i32
    %dma_start3A_375 = tpu.memref_slice %arg3[%dma_start3A_373, %dma_start3A_374] : memref<100000x1024xf32, #tpu.memory_space<hbm>> -> memref<100000x1024xf32, #tpu.memory_space<hbm>>
    tpu.enqueue_indirect_dma source(%dma_start3A_375 : memref<100000x1024xf32, #tpu.memory_space<hbm>>) target(%dma_start3A_369 : memref<56x1024xf32, #tpu.memory_space<vmem>>) offsets(%dma_start3A_372 : memref<56xi32, #tpu.memory_space<vmem>>) semaphore(%arg12 : memref<!tpu.dma_semaphore, #tpu.memory_space<semaphore_mem>>)
    %dma_wait3A_376 = arith.constant 1 : i32
    %dma_wait3A_377 = arith.constant 1 : i32
    %dma_wait3A_378 = arith.constant 0 : i32
    %dma_wait3A_379 = arith.constant 0 : i32
    %dma_wait3A_380 = tpu.memref_slice %arg7[%dma_wait3A_377, %dma_wait3A_378, %dma_wait3A_379] : memref<2x56x1024xf32, #tpu.memory_space<vmem>> -> memref<1x56x1024xf32, #tpu.memory_space<vmem>>
    %dma_wait3A_381 = tpu.memref_squeeze %dma_wait3A_380 : memref<1x56x1024xf32, #tpu.memory_space<vmem>> -> memref<56x1024xf32, #tpu.memory_space<vmem>>
    %dma_wait3A_382 = arith.constant 0 : i32
    %dma_wait3A_383 = tpu.memref_slice %arg5[%dma_wait3A_376, %dma_wait3A_382] : memref<2x56xi32, #tpu.memory_space<vmem>> -> memref<1x56xi32, #tpu.memory_space<vmem>>
    %dma_wait3A_384 = tpu.memref_squeeze %dma_wait3A_383 : memref<1x56xi32, #tpu.memory_space<vmem>> -> memref<56xi32, #tpu.memory_space<vmem>>
    %dma_wait3A_385 = arith.constant 0 : i32
    %dma_wait3A_386 = arith.constant 0 : i32
    %dma_wait3A_387 = tpu.memref_slice %arg3[%dma_wait3A_385, %dma_wait3A_386] : memref<100000x1024xf32, #tpu.memory_space<hbm>> -> memref<100000x1024xf32, #tpu.memory_space<hbm>>
    tpu.wait_indirect_dma semaphore(%arg13 : memref<!tpu.dma_semaphore, #tpu.memory_space<semaphore_mem>>) src(%dma_wait3A_387 : memref<100000x1024xf32, #tpu.memory_space<hbm>>) dst(%dma_wait3A_381 : memref<56x1024xf32, #tpu.memory_space<vmem>>)
    %mul3A_388 = arith.constant 4096 : i32
    %mul3A_389 = arith.muli %select_n3A, %mul3A_388 : i32
    %add3A_390 = arith.addi %mul3A_389, %mul3A_32 : i32
    %add3A_391 = arith.constant 280 : i32
    %add3A_392 = arith.addi %add3A_390, %add3A_391 : i32
    %dma_start3A_393 = arith.constant 1 : i32
    %dma_start3A_394 = arith.constant 0 : i32
    %dma_start3A_395 = tpu.memref_slice %arg5[%dma_start3A_393, %dma_start3A_394] : memref<2x56xi32, #tpu.memory_space<vmem>> -> memref<1x56xi32, #tpu.memory_space<vmem>>
    %dma_start3A_396 = tpu.memref_squeeze %dma_start3A_395 : memref<1x56xi32, #tpu.memory_space<vmem>> -> memref<56xi32, #tpu.memory_space<vmem>>
    %dma_start3A_397 = tpu.memref_slice %arg2[%add3A_392] : memref<16384xi32, #tpu.memory_space<hbm>> -> memref<56xi32, #tpu.memory_space<hbm>>
    %dma_start3A_398 = arith.constant 0 : i32
    %dma_start3A_399 = tpu.memref_slice %arg5[%dma_start3A_393, %dma_start3A_398] : memref<2x56xi32, #tpu.memory_space<vmem>> -> memref<1x56xi32, #tpu.memory_space<vmem>>
    %dma_start3A_400 = tpu.memref_squeeze %dma_start3A_399 : memref<1x56xi32, #tpu.memory_space<vmem>> -> memref<56xi32, #tpu.memory_space<vmem>>
    %dma_start3A_401 = tpu.memref_slice %arg2[%add3A_392] : memref<16384xi32, #tpu.memory_space<hbm>> -> memref<56xi32, #tpu.memory_space<hbm>>
    tpu.enqueue_dma source(%dma_start3A_401 : memref<56xi32, #tpu.memory_space<hbm>>) target(%dma_start3A_400 : memref<56xi32, #tpu.memory_space<vmem>>) target_semaphore(%arg10 : memref<!tpu.dma_semaphore, #tpu.memory_space<semaphore_mem>>)
    %add3A_402 = arith.constant 168 : i32
    %add3A_403 = arith.addi %mul3A_32, %add3A_402 : i32
    %dma_start3A_404 = arith.constant 1 : i32
    %dma_start3A_405 = arith.constant 0 : i32
    %dma_start3A_406 = arith.constant 0 : i32
    %dma_start3A_407 = tpu.memref_slice %arg7[%dma_start3A_404, %dma_start3A_405, %dma_start3A_406] : memref<2x56x1024xf32, #tpu.memory_space<vmem>> -> memref<1x56x1024xf32, #tpu.memory_space<vmem>>
    %dma_start3A_408 = tpu.memref_squeeze %dma_start3A_407 : memref<1x56x1024xf32, #tpu.memory_space<vmem>> -> memref<56x1024xf32, #tpu.memory_space<vmem>>
    %dma_start3A_409 = arith.constant 0 : i32
    %dma_start3A_410 = tpu.memref_slice %arg4[%select_n3A, %add3A_403, %dma_start3A_409] : memref<4x4096x1024xf32, #tpu.memory_space<hbm>> -> memref<1x56x1024xf32, #tpu.memory_space<hbm>>
    %dma_start3A_411 = tpu.memref_squeeze %dma_start3A_410 : memref<1x56x1024xf32, #tpu.memory_space<hbm>> -> memref<56x1024xf32, #tpu.memory_space<hbm>>
    %dma_start3A_412 = arith.constant 0 : i32
    %dma_start3A_413 = tpu.memref_slice %arg4[%select_n3A, %add3A_403, %dma_start3A_412] : memref<4x4096x1024xf32, #tpu.memory_space<hbm>> -> memref<1x56x1024xf32, #tpu.memory_space<hbm>>
    %dma_start3A_414 = tpu.memref_squeeze %dma_start3A_413 : memref<1x56x1024xf32, #tpu.memory_space<hbm>> -> memref<56x1024xf32, #tpu.memory_space<hbm>>
    %dma_start3A_415 = arith.constant 0 : i32
    %dma_start3A_416 = arith.constant 0 : i32
    %dma_start3A_417 = tpu.memref_slice %arg7[%dma_start3A_404, %dma_start3A_415, %dma_start3A_416] : memref<2x56x1024xf32, #tpu.memory_space<vmem>> -> memref<1x56x1024xf32, #tpu.memory_space<vmem>>
    %dma_start3A_418 = tpu.memref_squeeze %dma_start3A_417 : memref<1x56x1024xf32, #tpu.memory_space<vmem>> -> memref<56x1024xf32, #tpu.memory_space<vmem>>
    tpu.enqueue_dma source(%dma_start3A_418 : memref<56x1024xf32, #tpu.memory_space<vmem>>) target(%dma_start3A_414 : memref<56x1024xf32, #tpu.memory_space<hbm>>) target_semaphore(%arg15 : memref<!tpu.dma_semaphore, #tpu.memory_space<semaphore_mem>>)
    %add3A_419 = arith.constant 168 : i32
    %add3A_420 = arith.addi %mul3A_32, %add3A_419 : i32
    %dma_wait3A_421 = arith.constant 1 : i32
    %dma_wait3A_422 = arith.constant 0 : i32
    %dma_wait3A_423 = arith.constant 0 : i32
    %dma_wait3A_424 = tpu.memref_slice %arg7[%dma_wait3A_421, %dma_wait3A_422, %dma_wait3A_423] : memref<2x56x1024xf32, #tpu.memory_space<vmem>> -> memref<1x56x1024xf32, #tpu.memory_space<vmem>>
    %dma_wait3A_425 = tpu.memref_squeeze %dma_wait3A_424 : memref<1x56x1024xf32, #tpu.memory_space<vmem>> -> memref<56x1024xf32, #tpu.memory_space<vmem>>
    %dma_wait3A_426 = arith.constant 0 : i32
    %dma_wait3A_427 = tpu.memref_slice %arg4[%select_n3A, %add3A_420, %dma_wait3A_426] : memref<4x4096x1024xf32, #tpu.memory_space<hbm>> -> memref<1x56x1024xf32, #tpu.memory_space<hbm>>
    %dma_wait3A_428 = tpu.memref_squeeze %dma_wait3A_427 : memref<1x56x1024xf32, #tpu.memory_space<hbm>> -> memref<56x1024xf32, #tpu.memory_space<hbm>>
    %dma_wait3A_429 = arith.constant 0 : i32
    %dma_wait3A_430 = tpu.memref_slice %arg4[%select_n3A, %add3A_420, %dma_wait3A_429] : memref<4x4096x1024xf32, #tpu.memory_space<hbm>> -> memref<1x56x1024xf32, #tpu.memory_space<hbm>>
    %dma_wait3A_431 = tpu.memref_squeeze %dma_wait3A_430 : memref<1x56x1024xf32, #tpu.memory_space<hbm>> -> memref<56x1024xf32, #tpu.memory_space<hbm>>
    %dma_wait3A_432 = arith.constant 0 : i32
    %dma_wait3A_433 = arith.constant 0 : i32
    %dma_wait3A_434 = tpu.memref_slice %arg7[%dma_wait3A_421, %dma_wait3A_432, %dma_wait3A_433] : memref<2x56x1024xf32, #tpu.memory_space<vmem>> -> memref<1x56x1024xf32, #tpu.memory_space<vmem>>
    %dma_wait3A_435 = tpu.memref_squeeze %dma_wait3A_434 : memref<1x56x1024xf32, #tpu.memory_space<vmem>> -> memref<56x1024xf32, #tpu.memory_space<vmem>>
    tpu.wait_dma2 semaphore(%arg15 : memref<!tpu.dma_semaphore, #tpu.memory_space<semaphore_mem>>) src(%dma_wait3A_435 : memref<56x1024xf32, #tpu.memory_space<vmem>>) dst(%dma_wait3A_431 : memref<56x1024xf32, #tpu.memory_space<hbm>>)
    %mul3A_436 = arith.constant 4096 : i32
    %mul3A_437 = arith.muli %select_n3A, %mul3A_436 : i32
    %add3A_438 = arith.addi %mul3A_437, %mul3A_32 : i32
    %add3A_439 = arith.constant 280 : i32
    %add3A_440 = arith.addi %add3A_438, %add3A_439 : i32
    %dma_wait3A_441 = arith.constant 1 : i32
    %dma_wait3A_442 = arith.constant 0 : i32
    %dma_wait3A_443 = tpu.memref_slice %arg5[%dma_wait3A_441, %dma_wait3A_442] : memref<2x56xi32, #tpu.memory_space<vmem>> -> memref<1x56xi32, #tpu.memory_space<vmem>>
    %dma_wait3A_444 = tpu.memref_squeeze %dma_wait3A_443 : memref<1x56xi32, #tpu.memory_space<vmem>> -> memref<56xi32, #tpu.memory_space<vmem>>
    %dma_wait3A_445 = tpu.memref_slice %arg2[%add3A_440] : memref<16384xi32, #tpu.memory_space<hbm>> -> memref<56xi32, #tpu.memory_space<hbm>>
    %dma_wait3A_446 = arith.constant 0 : i32
    %dma_wait3A_447 = tpu.memref_slice %arg5[%dma_wait3A_441, %dma_wait3A_446] : memref<2x56xi32, #tpu.memory_space<vmem>> -> memref<1x56xi32, #tpu.memory_space<vmem>>
    %dma_wait3A_448 = tpu.memref_squeeze %dma_wait3A_447 : memref<1x56xi32, #tpu.memory_space<vmem>> -> memref<56xi32, #tpu.memory_space<vmem>>
    %dma_wait3A_449 = tpu.memref_slice %arg2[%add3A_440] : memref<16384xi32, #tpu.memory_space<hbm>> -> memref<56xi32, #tpu.memory_space<hbm>>
    tpu.wait_dma2 semaphore(%arg10 : memref<!tpu.dma_semaphore, #tpu.memory_space<semaphore_mem>>) src(%dma_wait3A_449 : memref<56xi32, #tpu.memory_space<hbm>>) dst(%dma_wait3A_448 : memref<56xi32, #tpu.memory_space<vmem>>)
    %dma_start3A_450 = arith.constant 1 : i32
    %dma_start3A_451 = arith.constant 1 : i32
    %dma_start3A_452 = arith.constant 0 : i32
    %dma_start3A_453 = arith.constant 0 : i32
    %dma_start3A_454 = tpu.memref_slice %arg7[%dma_start3A_451, %dma_start3A_452, %dma_start3A_453] : memref<2x56x1024xf32, #tpu.memory_space<vmem>> -> memref<1x56x1024xf32, #tpu.memory_space<vmem>>
    %dma_start3A_455 = tpu.memref_squeeze %dma_start3A_454 : memref<1x56x1024xf32, #tpu.memory_space<vmem>> -> memref<56x1024xf32, #tpu.memory_space<vmem>>
    %dma_start3A_456 = arith.constant 0 : i32
    %dma_start3A_457 = tpu.memref_slice %arg5[%dma_start3A_450, %dma_start3A_456] : memref<2x56xi32, #tpu.memory_space<vmem>> -> memref<1x56xi32, #tpu.memory_space<vmem>>
    %dma_start3A_458 = tpu.memref_squeeze %dma_start3A_457 : memref<1x56xi32, #tpu.memory_space<vmem>> -> memref<56xi32, #tpu.memory_space<vmem>>
    %dma_start3A_459 = arith.constant 0 : i32
    %dma_start3A_460 = arith.constant 0 : i32
    %dma_start3A_461 = tpu.memref_slice %arg3[%dma_start3A_459, %dma_start3A_460] : memref<100000x1024xf32, #tpu.memory_space<hbm>> -> memref<100000x1024xf32, #tpu.memory_space<hbm>>
    tpu.enqueue_indirect_dma source(%dma_start3A_461 : memref<100000x1024xf32, #tpu.memory_space<hbm>>) target(%dma_start3A_455 : memref<56x1024xf32, #tpu.memory_space<vmem>>) offsets(%dma_start3A_458 : memref<56xi32, #tpu.memory_space<vmem>>) semaphore(%arg13 : memref<!tpu.dma_semaphore, #tpu.memory_space<semaphore_mem>>)
    %dma_wait3A_462 = arith.constant 0 : i32
    %dma_wait3A_463 = arith.constant 0 : i32
    %dma_wait3A_464 = arith.constant 0 : i32
    %dma_wait3A_465 = arith.constant 0 : i32
    %dma_wait3A_466 = tpu.memref_slice %arg7[%dma_wait3A_463, %dma_wait3A_464, %dma_wait3A_465] : memref<2x56x1024xf32, #tpu.memory_space<vmem>> -> memref<1x56x1024xf32, #tpu.memory_space<vmem>>
    %dma_wait3A_467 = tpu.memref_squeeze %dma_wait3A_466 : memref<1x56x1024xf32, #tpu.memory_space<vmem>> -> memref<56x1024xf32, #tpu.memory_space<vmem>>
    %dma_wait3A_468 = arith.constant 0 : i32
    %dma_wait3A_469 = tpu.memref_slice %arg5[%dma_wait3A_462, %dma_wait3A_468] : memref<2x56xi32, #tpu.memory_space<vmem>> -> memref<1x56xi32, #tpu.memory_space<vmem>>
    %dma_wait3A_470 = tpu.memref_squeeze %dma_wait3A_469 : memref<1x56xi32, #tpu.memory_space<vmem>> -> memref<56xi32, #tpu.memory_space<vmem>>
    %dma_wait3A_471 = arith.constant 0 : i32
    %dma_wait3A_472 = arith.constant 0 : i32
    %dma_wait3A_473 = tpu.memref_slice %arg3[%dma_wait3A_471, %dma_wait3A_472] : memref<100000x1024xf32, #tpu.memory_space<hbm>> -> memref<100000x1024xf32, #tpu.memory_space<hbm>>
    tpu.wait_indirect_dma semaphore(%arg12 : memref<!tpu.dma_semaphore, #tpu.memory_space<semaphore_mem>>) src(%dma_wait3A_473 : memref<100000x1024xf32, #tpu.memory_space<hbm>>) dst(%dma_wait3A_467 : memref<56x1024xf32, #tpu.memory_space<vmem>>)
    %mul3A_474 = arith.constant 4096 : i32
    %mul3A_475 = arith.muli %select_n3A, %mul3A_474 : i32
    %add3A_476 = arith.addi %mul3A_475, %mul3A_32 : i32
    %add3A_477 = arith.constant 336 : i32
    %add3A_478 = arith.addi %add3A_476, %add3A_477 : i32
    %dma_start3A_479 = arith.constant 0 : i32
    %dma_start3A_480 = arith.constant 0 : i32
    %dma_start3A_481 = tpu.memref_slice %arg5[%dma_start3A_479, %dma_start3A_480] : memref<2x56xi32, #tpu.memory_space<vmem>> -> memref<1x56xi32, #tpu.memory_space<vmem>>
    %dma_start3A_482 = tpu.memref_squeeze %dma_start3A_481 : memref<1x56xi32, #tpu.memory_space<vmem>> -> memref<56xi32, #tpu.memory_space<vmem>>
    %dma_start3A_483 = tpu.memref_slice %arg2[%add3A_478] : memref<16384xi32, #tpu.memory_space<hbm>> -> memref<56xi32, #tpu.memory_space<hbm>>
    %dma_start3A_484 = arith.constant 0 : i32
    %dma_start3A_485 = tpu.memref_slice %arg5[%dma_start3A_479, %dma_start3A_484] : memref<2x56xi32, #tpu.memory_space<vmem>> -> memref<1x56xi32, #tpu.memory_space<vmem>>
    %dma_start3A_486 = tpu.memref_squeeze %dma_start3A_485 : memref<1x56xi32, #tpu.memory_space<vmem>> -> memref<56xi32, #tpu.memory_space<vmem>>
    %dma_start3A_487 = tpu.memref_slice %arg2[%add3A_478] : memref<16384xi32, #tpu.memory_space<hbm>> -> memref<56xi32, #tpu.memory_space<hbm>>
    tpu.enqueue_dma source(%dma_start3A_487 : memref<56xi32, #tpu.memory_space<hbm>>) target(%dma_start3A_486 : memref<56xi32, #tpu.memory_space<vmem>>) target_semaphore(%arg9 : memref<!tpu.dma_semaphore, #tpu.memory_space<semaphore_mem>>)
    %add3A_488 = arith.constant 224 : i32
    %add3A_489 = arith.addi %mul3A_32, %add3A_488 : i32
    %dma_start3A_490 = arith.constant 0 : i32
    %dma_start3A_491 = arith.constant 0 : i32
    %dma_start3A_492 = arith.constant 0 : i32
    %dma_start3A_493 = tpu.memref_slice %arg7[%dma_start3A_490, %dma_start3A_491, %dma_start3A_492] : memref<2x56x1024xf32, #tpu.memory_space<vmem>> -> memref<1x56x1024xf32, #tpu.memory_space<vmem>>
    %dma_start3A_494 = tpu.memref_squeeze %dma_start3A_493 : memref<1x56x1024xf32, #tpu.memory_space<vmem>> -> memref<56x1024xf32, #tpu.memory_space<vmem>>
    %dma_start3A_495 = arith.constant 0 : i32
    %dma_start3A_496 = tpu.memref_slice %arg4[%select_n3A, %add3A_489, %dma_start3A_495] : memref<4x4096x1024xf32, #tpu.memory_space<hbm>> -> memref<1x56x1024xf32, #tpu.memory_space<hbm>>
    %dma_start3A_497 = tpu.memref_squeeze %dma_start3A_496 : memref<1x56x1024xf32, #tpu.memory_space<hbm>> -> memref<56x1024xf32, #tpu.memory_space<hbm>>
    %dma_start3A_498 = arith.constant 0 : i32
    %dma_start3A_499 = tpu.memref_slice %arg4[%select_n3A, %add3A_489, %dma_start3A_498] : memref<4x4096x1024xf32, #tpu.memory_space<hbm>> -> memref<1x56x1024xf32, #tpu.memory_space<hbm>>
    %dma_start3A_500 = tpu.memref_squeeze %dma_start3A_499 : memref<1x56x1024xf32, #tpu.memory_space<hbm>> -> memref<56x1024xf32, #tpu.memory_space<hbm>>
    %dma_start3A_501 = arith.constant 0 : i32
    %dma_start3A_502 = arith.constant 0 : i32
    %dma_start3A_503 = tpu.memref_slice %arg7[%dma_start3A_490, %dma_start3A_501, %dma_start3A_502] : memref<2x56x1024xf32, #tpu.memory_space<vmem>> -> memref<1x56x1024xf32, #tpu.memory_space<vmem>>
    %dma_start3A_504 = tpu.memref_squeeze %dma_start3A_503 : memref<1x56x1024xf32, #tpu.memory_space<vmem>> -> memref<56x1024xf32, #tpu.memory_space<vmem>>
    tpu.enqueue_dma source(%dma_start3A_504 : memref<56x1024xf32, #tpu.memory_space<vmem>>) target(%dma_start3A_500 : memref<56x1024xf32, #tpu.memory_space<hbm>>) target_semaphore(%arg14 : memref<!tpu.dma_semaphore, #tpu.memory_space<semaphore_mem>>)
    %add3A_505 = arith.constant 224 : i32
    %add3A_506 = arith.addi %mul3A_32, %add3A_505 : i32
    %dma_wait3A_507 = arith.constant 0 : i32
    %dma_wait3A_508 = arith.constant 0 : i32
    %dma_wait3A_509 = arith.constant 0 : i32
    %dma_wait3A_510 = tpu.memref_slice %arg7[%dma_wait3A_507, %dma_wait3A_508, %dma_wait3A_509] : memref<2x56x1024xf32, #tpu.memory_space<vmem>> -> memref<1x56x1024xf32, #tpu.memory_space<vmem>>
    %dma_wait3A_511 = tpu.memref_squeeze %dma_wait3A_510 : memref<1x56x1024xf32, #tpu.memory_space<vmem>> -> memref<56x1024xf32, #tpu.memory_space<vmem>>
    %dma_wait3A_512 = arith.constant 0 : i32
    %dma_wait3A_513 = tpu.memref_slice %arg4[%select_n3A, %add3A_506, %dma_wait3A_512] : memref<4x4096x1024xf32, #tpu.memory_space<hbm>> -> memref<1x56x1024xf32, #tpu.memory_space<hbm>>
    %dma_wait3A_514 = tpu.memref_squeeze %dma_wait3A_513 : memref<1x56x1024xf32, #tpu.memory_space<hbm>> -> memref<56x1024xf32, #tpu.memory_space<hbm>>
    %dma_wait3A_515 = arith.constant 0 : i32
    %dma_wait3A_516 = tpu.memref_slice %arg4[%select_n3A, %add3A_506, %dma_wait3A_515] : memref<4x4096x1024xf32, #tpu.memory_space<hbm>> -> memref<1x56x1024xf32, #tpu.memory_space<hbm>>
    %dma_wait3A_517 = tpu.memref_squeeze %dma_wait3A_516 : memref<1x56x1024xf32, #tpu.memory_space<hbm>> -> memref<56x1024xf32, #tpu.memory_space<hbm>>
    %dma_wait3A_518 = arith.constant 0 : i32
    %dma_wait3A_519 = arith.constant 0 : i32
    %dma_wait3A_520 = tpu.memref_slice %arg7[%dma_wait3A_507, %dma_wait3A_518, %dma_wait3A_519] : memref<2x56x1024xf32, #tpu.memory_space<vmem>> -> memref<1x56x1024xf32, #tpu.memory_space<vmem>>
    %dma_wait3A_521 = tpu.memref_squeeze %dma_wait3A_520 : memref<1x56x1024xf32, #tpu.memory_space<vmem>> -> memref<56x1024xf32, #tpu.memory_space<vmem>>
    tpu.wait_dma2 semaphore(%arg14 : memref<!tpu.dma_semaphore, #tpu.memory_space<semaphore_mem>>) src(%dma_wait3A_521 : memref<56x1024xf32, #tpu.memory_space<vmem>>) dst(%dma_wait3A_517 : memref<56x1024xf32, #tpu.memory_space<hbm>>)
    %mul3A_522 = arith.constant 4096 : i32
    %mul3A_523 = arith.muli %select_n3A, %mul3A_522 : i32
    %add3A_524 = arith.addi %mul3A_523, %mul3A_32 : i32
    %add3A_525 = arith.constant 336 : i32
    %add3A_526 = arith.addi %add3A_524, %add3A_525 : i32
    %dma_wait3A_527 = arith.constant 0 : i32
    %dma_wait3A_528 = arith.constant 0 : i32
    %dma_wait3A_529 = tpu.memref_slice %arg5[%dma_wait3A_527, %dma_wait3A_528] : memref<2x56xi32, #tpu.memory_space<vmem>> -> memref<1x56xi32, #tpu.memory_space<vmem>>
    %dma_wait3A_530 = tpu.memref_squeeze %dma_wait3A_529 : memref<1x56xi32, #tpu.memory_space<vmem>> -> memref<56xi32, #tpu.memory_space<vmem>>
    %dma_wait3A_531 = tpu.memref_slice %arg2[%add3A_526] : memref<16384xi32, #tpu.memory_space<hbm>> -> memref<56xi32, #tpu.memory_space<hbm>>
    %dma_wait3A_532 = arith.constant 0 : i32
    %dma_wait3A_533 = tpu.memref_slice %arg5[%dma_wait3A_527, %dma_wait3A_532] : memref<2x56xi32, #tpu.memory_space<vmem>> -> memref<1x56xi32, #tpu.memory_space<vmem>>
    %dma_wait3A_534 = tpu.memref_squeeze %dma_wait3A_533 : memref<1x56xi32, #tpu.memory_space<vmem>> -> memref<56xi32, #tpu.memory_space<vmem>>
    %dma_wait3A_535 = tpu.memref_slice %arg2[%add3A_526] : memref<16384xi32, #tpu.memory_space<hbm>> -> memref<56xi32, #tpu.memory_space<hbm>>
    tpu.wait_dma2 semaphore(%arg9 : memref<!tpu.dma_semaphore, #tpu.memory_space<semaphore_mem>>) src(%dma_wait3A_535 : memref<56xi32, #tpu.memory_space<hbm>>) dst(%dma_wait3A_534 : memref<56xi32, #tpu.memory_space<vmem>>)
    %dma_start3A_536 = arith.constant 0 : i32
    %dma_start3A_537 = arith.constant 0 : i32
    %dma_start3A_538 = arith.constant 0 : i32
    %dma_start3A_539 = arith.constant 0 : i32
    %dma_start3A_540 = tpu.memref_slice %arg7[%dma_start3A_537, %dma_start3A_538, %dma_start3A_539] : memref<2x56x1024xf32, #tpu.memory_space<vmem>> -> memref<1x56x1024xf32, #tpu.memory_space<vmem>>
    %dma_start3A_541 = tpu.memref_squeeze %dma_start3A_540 : memref<1x56x1024xf32, #tpu.memory_space<vmem>> -> memref<56x1024xf32, #tpu.memory_space<vmem>>
    %dma_start3A_542 = arith.constant 0 : i32
    %dma_start3A_543 = tpu.memref_slice %arg5[%dma_start3A_536, %dma_start3A_542] : memref<2x56xi32, #tpu.memory_space<vmem>> -> memref<1x56xi32, #tpu.memory_space<vmem>>
    %dma_start3A_544 = tpu.memref_squeeze %dma_start3A_543 : memref<1x56xi32, #tpu.memory_space<vmem>> -> memref<56xi32, #tpu.memory_space<vmem>>
    %dma_start3A_545 = arith.constant 0 : i32
    %dma_start3A_546 = arith.constant 0 : i32
    %dma_start3A_547 = tpu.memref_slice %arg3[%dma_start3A_545, %dma_start3A_546] : memref<100000x1024xf32, #tpu.memory_space<hbm>> -> memref<100000x1024xf32, #tpu.memory_space<hbm>>
    tpu.enqueue_indirect_dma source(%dma_start3A_547 : memref<100000x1024xf32, #tpu.memory_space<hbm>>) target(%dma_start3A_541 : memref<56x1024xf32, #tpu.memory_space<vmem>>) offsets(%dma_start3A_544 : memref<56xi32, #tpu.memory_space<vmem>>) semaphore(%arg12 : memref<!tpu.dma_semaphore, #tpu.memory_space<semaphore_mem>>)
    %dma_wait3A_548 = arith.constant 1 : i32
    %dma_wait3A_549 = arith.constant 1 : i32
    %dma_wait3A_550 = arith.constant 0 : i32
    %dma_wait3A_551 = arith.constant 0 : i32
    %dma_wait3A_552 = tpu.memref_slice %arg7[%dma_wait3A_549, %dma_wait3A_550, %dma_wait3A_551] : memref<2x56x1024xf32, #tpu.memory_space<vmem>> -> memref<1x56x1024xf32, #tpu.memory_space<vmem>>
    %dma_wait3A_553 = tpu.memref_squeeze %dma_wait3A_552 : memref<1x56x1024xf32, #tpu.memory_space<vmem>> -> memref<56x1024xf32, #tpu.memory_space<vmem>>
    %dma_wait3A_554 = arith.constant 0 : i32
    %dma_wait3A_555 = tpu.memref_slice %arg5[%dma_wait3A_548, %dma_wait3A_554] : memref<2x56xi32, #tpu.memory_space<vmem>> -> memref<1x56xi32, #tpu.memory_space<vmem>>
    %dma_wait3A_556 = tpu.memref_squeeze %dma_wait3A_555 : memref<1x56xi32, #tpu.memory_space<vmem>> -> memref<56xi32, #tpu.memory_space<vmem>>
    %dma_wait3A_557 = arith.constant 0 : i32
    %dma_wait3A_558 = arith.constant 0 : i32
    %dma_wait3A_559 = tpu.memref_slice %arg3[%dma_wait3A_557, %dma_wait3A_558] : memref<100000x1024xf32, #tpu.memory_space<hbm>> -> memref<100000x1024xf32, #tpu.memory_space<hbm>>
    tpu.wait_indirect_dma semaphore(%arg13 : memref<!tpu.dma_semaphore, #tpu.memory_space<semaphore_mem>>) src(%dma_wait3A_559 : memref<100000x1024xf32, #tpu.memory_space<hbm>>) dst(%dma_wait3A_553 : memref<56x1024xf32, #tpu.memory_space<vmem>>)
    %mul3A_560 = arith.constant 4096 : i32
    %mul3A_561 = arith.muli %select_n3A, %mul3A_560 : i32
    %add3A_562 = arith.addi %mul3A_561, %mul3A_32 : i32
    %add3A_563 = arith.constant 392 : i32
    %add3A_564 = arith.addi %add3A_562, %add3A_563 : i32
    %dma_start3A_565 = arith.constant 1 : i32
    %dma_start3A_566 = arith.constant 0 : i32
    %dma_start3A_567 = tpu.memref_slice %arg5[%dma_start3A_565, %dma_start3A_566] : memref<2x56xi32, #tpu.memory_space<vmem>> -> memref<1x56xi32, #tpu.memory_space<vmem>>
    %dma_start3A_568 = tpu.memref_squeeze %dma_start3A_567 : memref<1x56xi32, #tpu.memory_space<vmem>> -> memref<56xi32, #tpu.memory_space<vmem>>
    %dma_start3A_569 = tpu.memref_slice %arg2[%add3A_564] : memref<16384xi32, #tpu.memory_space<hbm>> -> memref<56xi32, #tpu.memory_space<hbm>>
    %dma_start3A_570 = arith.constant 0 : i32
    %dma_start3A_571 = tpu.memref_slice %arg5[%dma_start3A_565, %dma_start3A_570] : memref<2x56xi32, #tpu.memory_space<vmem>> -> memref<1x56xi32, #tpu.memory_space<vmem>>
    %dma_start3A_572 = tpu.memref_squeeze %dma_start3A_571 : memref<1x56xi32, #tpu.memory_space<vmem>> -> memref<56xi32, #tpu.memory_space<vmem>>
    %dma_start3A_573 = tpu.memref_slice %arg2[%add3A_564] : memref<16384xi32, #tpu.memory_space<hbm>> -> memref<56xi32, #tpu.memory_space<hbm>>
    tpu.enqueue_dma source(%dma_start3A_573 : memref<56xi32, #tpu.memory_space<hbm>>) target(%dma_start3A_572 : memref<56xi32, #tpu.memory_space<vmem>>) target_semaphore(%arg10 : memref<!tpu.dma_semaphore, #tpu.memory_space<semaphore_mem>>)
    %add3A_574 = arith.constant 280 : i32
    %add3A_575 = arith.addi %mul3A_32, %add3A_574 : i32
    %dma_start3A_576 = arith.constant 1 : i32
    %dma_start3A_577 = arith.constant 0 : i32
    %dma_start3A_578 = arith.constant 0 : i32
    %dma_start3A_579 = tpu.memref_slice %arg7[%dma_start3A_576, %dma_start3A_577, %dma_start3A_578] : memref<2x56x1024xf32, #tpu.memory_space<vmem>> -> memref<1x56x1024xf32, #tpu.memory_space<vmem>>
    %dma_start3A_580 = tpu.memref_squeeze %dma_start3A_579 : memref<1x56x1024xf32, #tpu.memory_space<vmem>> -> memref<56x1024xf32, #tpu.memory_space<vmem>>
    %dma_start3A_581 = arith.constant 0 : i32
    %dma_start3A_582 = tpu.memref_slice %arg4[%select_n3A, %add3A_575, %dma_start3A_581] : memref<4x4096x1024xf32, #tpu.memory_space<hbm>> -> memref<1x56x1024xf32, #tpu.memory_space<hbm>>
    %dma_start3A_583 = tpu.memref_squeeze %dma_start3A_582 : memref<1x56x1024xf32, #tpu.memory_space<hbm>> -> memref<56x1024xf32, #tpu.memory_space<hbm>>
    %dma_start3A_584 = arith.constant 0 : i32
    %dma_start3A_585 = tpu.memref_slice %arg4[%select_n3A, %add3A_575, %dma_start3A_584] : memref<4x4096x1024xf32, #tpu.memory_space<hbm>> -> memref<1x56x1024xf32, #tpu.memory_space<hbm>>
    %dma_start3A_586 = tpu.memref_squeeze %dma_start3A_585 : memref<1x56x1024xf32, #tpu.memory_space<hbm>> -> memref<56x1024xf32, #tpu.memory_space<hbm>>
    %dma_start3A_587 = arith.constant 0 : i32
    %dma_start3A_588 = arith.constant 0 : i32
    %dma_start3A_589 = tpu.memref_slice %arg7[%dma_start3A_576, %dma_start3A_587, %dma_start3A_588] : memref<2x56x1024xf32, #tpu.memory_space<vmem>> -> memref<1x56x1024xf32, #tpu.memory_space<vmem>>
    %dma_start3A_590 = tpu.memref_squeeze %dma_start3A_589 : memref<1x56x1024xf32, #tpu.memory_space<vmem>> -> memref<56x1024xf32, #tpu.memory_space<vmem>>
    tpu.enqueue_dma source(%dma_start3A_590 : memref<56x1024xf32, #tpu.memory_space<vmem>>) target(%dma_start3A_586 : memref<56x1024xf32, #tpu.memory_space<hbm>>) target_semaphore(%arg15 : memref<!tpu.dma_semaphore, #tpu.memory_space<semaphore_mem>>)
    %add3A_591 = arith.constant 280 : i32
    %add3A_592 = arith.addi %mul3A_32, %add3A_591 : i32
    %dma_wait3A_593 = arith.constant 1 : i32
    %dma_wait3A_594 = arith.constant 0 : i32
    %dma_wait3A_595 = arith.constant 0 : i32
    %dma_wait3A_596 = tpu.memref_slice %arg7[%dma_wait3A_593, %dma_wait3A_594, %dma_wait3A_595] : memref<2x56x1024xf32, #tpu.memory_space<vmem>> -> memref<1x56x1024xf32, #tpu.memory_space<vmem>>
    %dma_wait3A_597 = tpu.memref_squeeze %dma_wait3A_596 : memref<1x56x1024xf32, #tpu.memory_space<vmem>> -> memref<56x1024xf32, #tpu.memory_space<vmem>>
    %dma_wait3A_598 = arith.constant 0 : i32
    %dma_wait3A_599 = tpu.memref_slice %arg4[%select_n3A, %add3A_592, %dma_wait3A_598] : memref<4x4096x1024xf32, #tpu.memory_space<hbm>> -> memref<1x56x1024xf32, #tpu.memory_space<hbm>>
    %dma_wait3A_600 = tpu.memref_squeeze %dma_wait3A_599 : memref<1x56x1024xf32, #tpu.memory_space<hbm>> -> memref<56x1024xf32, #tpu.memory_space<hbm>>
    %dma_wait3A_601 = arith.constant 0 : i32
    %dma_wait3A_602 = tpu.memref_slice %arg4[%select_n3A, %add3A_592, %dma_wait3A_601] : memref<4x4096x1024xf32, #tpu.memory_space<hbm>> -> memref<1x56x1024xf32, #tpu.memory_space<hbm>>
    %dma_wait3A_603 = tpu.memref_squeeze %dma_wait3A_602 : memref<1x56x1024xf32, #tpu.memory_space<hbm>> -> memref<56x1024xf32, #tpu.memory_space<hbm>>
    %dma_wait3A_604 = arith.constant 0 : i32
    %dma_wait3A_605 = arith.constant 0 : i32
    %dma_wait3A_606 = tpu.memref_slice %arg7[%dma_wait3A_593, %dma_wait3A_604, %dma_wait3A_605] : memref<2x56x1024xf32, #tpu.memory_space<vmem>> -> memref<1x56x1024xf32, #tpu.memory_space<vmem>>
    %dma_wait3A_607 = tpu.memref_squeeze %dma_wait3A_606 : memref<1x56x1024xf32, #tpu.memory_space<vmem>> -> memref<56x1024xf32, #tpu.memory_space<vmem>>
    tpu.wait_dma2 semaphore(%arg15 : memref<!tpu.dma_semaphore, #tpu.memory_space<semaphore_mem>>) src(%dma_wait3A_607 : memref<56x1024xf32, #tpu.memory_space<vmem>>) dst(%dma_wait3A_603 : memref<56x1024xf32, #tpu.memory_space<hbm>>)
    %mul3A_608 = arith.constant 4096 : i32
    %mul3A_609 = arith.muli %select_n3A, %mul3A_608 : i32
    %add3A_610 = arith.addi %mul3A_609, %mul3A_32 : i32
    %add3A_611 = arith.constant 392 : i32
    %add3A_612 = arith.addi %add3A_610, %add3A_611 : i32
    %dma_wait3A_613 = arith.constant 1 : i32
    %dma_wait3A_614 = arith.constant 0 : i32
    %dma_wait3A_615 = tpu.memref_slice %arg5[%dma_wait3A_613, %dma_wait3A_614] : memref<2x56xi32, #tpu.memory_space<vmem>> -> memref<1x56xi32, #tpu.memory_space<vmem>>
    %dma_wait3A_616 = tpu.memref_squeeze %dma_wait3A_615 : memref<1x56xi32, #tpu.memory_space<vmem>> -> memref<56xi32, #tpu.memory_space<vmem>>
    %dma_wait3A_617 = tpu.memref_slice %arg2[%add3A_612] : memref<16384xi32, #tpu.memory_space<hbm>> -> memref<56xi32, #tpu.memory_space<hbm>>
    %dma_wait3A_618 = arith.constant 0 : i32
    %dma_wait3A_619 = tpu.memref_slice %arg5[%dma_wait3A_613, %dma_wait3A_618] : memref<2x56xi32, #tpu.memory_space<vmem>> -> memref<1x56xi32, #tpu.memory_space<vmem>>
    %dma_wait3A_620 = tpu.memref_squeeze %dma_wait3A_619 : memref<1x56xi32, #tpu.memory_space<vmem>> -> memref<56xi32, #tpu.memory_space<vmem>>
    %dma_wait3A_621 = tpu.memref_slice %arg2[%add3A_612] : memref<16384xi32, #tpu.memory_space<hbm>> -> memref<56xi32, #tpu.memory_space<hbm>>
    tpu.wait_dma2 semaphore(%arg10 : memref<!tpu.dma_semaphore, #tpu.memory_space<semaphore_mem>>) src(%dma_wait3A_621 : memref<56xi32, #tpu.memory_space<hbm>>) dst(%dma_wait3A_620 : memref<56xi32, #tpu.memory_space<vmem>>)
    %dma_start3A_622 = arith.constant 1 : i32
    %dma_start3A_623 = arith.constant 1 : i32
    %dma_start3A_624 = arith.constant 0 : i32
    %dma_start3A_625 = arith.constant 0 : i32
    %dma_start3A_626 = tpu.memref_slice %arg7[%dma_start3A_623, %dma_start3A_624, %dma_start3A_625] : memref<2x56x1024xf32, #tpu.memory_space<vmem>> -> memref<1x56x1024xf32, #tpu.memory_space<vmem>>
    %dma_start3A_627 = tpu.memref_squeeze %dma_start3A_626 : memref<1x56x1024xf32, #tpu.memory_space<vmem>> -> memref<56x1024xf32, #tpu.memory_space<vmem>>
    %dma_start3A_628 = arith.constant 0 : i32
    %dma_start3A_629 = tpu.memref_slice %arg5[%dma_start3A_622, %dma_start3A_628] : memref<2x56xi32, #tpu.memory_space<vmem>> -> memref<1x56xi32, #tpu.memory_space<vmem>>
    %dma_start3A_630 = tpu.memref_squeeze %dma_start3A_629 : memref<1x56xi32, #tpu.memory_space<vmem>> -> memref<56xi32, #tpu.memory_space<vmem>>
    %dma_start3A_631 = arith.constant 0 : i32
    %dma_start3A_632 = arith.constant 0 : i32
    %dma_start3A_633 = tpu.memref_slice %arg3[%dma_start3A_631, %dma_start3A_632] : memref<100000x1024xf32, #tpu.memory_space<hbm>> -> memref<100000x1024xf32, #tpu.memory_space<hbm>>
    tpu.enqueue_indirect_dma source(%dma_start3A_633 : memref<100000x1024xf32, #tpu.memory_space<hbm>>) target(%dma_start3A_627 : memref<56x1024xf32, #tpu.memory_space<vmem>>) offsets(%dma_start3A_630 : memref<56xi32, #tpu.memory_space<vmem>>) semaphore(%arg13 : memref<!tpu.dma_semaphore, #tpu.memory_space<semaphore_mem>>)
    %dma_wait3A_634 = arith.constant 0 : i32
    %dma_wait3A_635 = arith.constant 0 : i32
    %dma_wait3A_636 = arith.constant 0 : i32
    %dma_wait3A_637 = arith.constant 0 : i32
    %dma_wait3A_638 = tpu.memref_slice %arg7[%dma_wait3A_635, %dma_wait3A_636, %dma_wait3A_637] : memref<2x56x1024xf32, #tpu.memory_space<vmem>> -> memref<1x56x1024xf32, #tpu.memory_space<vmem>>
    %dma_wait3A_639 = tpu.memref_squeeze %dma_wait3A_638 : memref<1x56x1024xf32, #tpu.memory_space<vmem>> -> memref<56x1024xf32, #tpu.memory_space<vmem>>
    %dma_wait3A_640 = arith.constant 0 : i32
    %dma_wait3A_641 = tpu.memref_slice %arg5[%dma_wait3A_634, %dma_wait3A_640] : memref<2x56xi32, #tpu.memory_space<vmem>> -> memref<1x56xi32, #tpu.memory_space<vmem>>
    %dma_wait3A_642 = tpu.memref_squeeze %dma_wait3A_641 : memref<1x56xi32, #tpu.memory_space<vmem>> -> memref<56xi32, #tpu.memory_space<vmem>>
    %dma_wait3A_643 = arith.constant 0 : i32
    %dma_wait3A_644 = arith.constant 0 : i32
    %dma_wait3A_645 = tpu.memref_slice %arg3[%dma_wait3A_643, %dma_wait3A_644] : memref<100000x1024xf32, #tpu.memory_space<hbm>> -> memref<100000x1024xf32, #tpu.memory_space<hbm>>
    tpu.wait_indirect_dma semaphore(%arg12 : memref<!tpu.dma_semaphore, #tpu.memory_space<semaphore_mem>>) src(%dma_wait3A_645 : memref<100000x1024xf32, #tpu.memory_space<hbm>>) dst(%dma_wait3A_639 : memref<56x1024xf32, #tpu.memory_space<vmem>>)
    %mul3A_646 = arith.constant 4096 : i32
    %mul3A_647 = arith.muli %select_n3A, %mul3A_646 : i32
    %add3A_648 = arith.addi %mul3A_647, %mul3A_32 : i32
    %add3A_649 = arith.constant 448 : i32
    %add3A_650 = arith.addi %add3A_648, %add3A_649 : i32
    %dma_start3A_651 = arith.constant 0 : i32
    %dma_start3A_652 = arith.constant 0 : i32
    %dma_start3A_653 = tpu.memref_slice %arg5[%dma_start3A_651, %dma_start3A_652] : memref<2x56xi32, #tpu.memory_space<vmem>> -> memref<1x56xi32, #tpu.memory_space<vmem>>
    %dma_start3A_654 = tpu.memref_squeeze %dma_start3A_653 : memref<1x56xi32, #tpu.memory_space<vmem>> -> memref<56xi32, #tpu.memory_space<vmem>>
    %dma_start3A_655 = tpu.memref_slice %arg2[%add3A_650] : memref<16384xi32, #tpu.memory_space<hbm>> -> memref<56xi32, #tpu.memory_space<hbm>>
    %dma_start3A_656 = arith.constant 0 : i32
    %dma_start3A_657 = tpu.memref_slice %arg5[%dma_start3A_651, %dma_start3A_656] : memref<2x56xi32, #tpu.memory_space<vmem>> -> memref<1x56xi32, #tpu.memory_space<vmem>>
    %dma_start3A_658 = tpu.memref_squeeze %dma_start3A_657 : memref<1x56xi32, #tpu.memory_space<vmem>> -> memref<56xi32, #tpu.memory_space<vmem>>
    %dma_start3A_659 = tpu.memref_slice %arg2[%add3A_650] : memref<16384xi32, #tpu.memory_space<hbm>> -> memref<56xi32, #tpu.memory_space<hbm>>
    tpu.enqueue_dma source(%dma_start3A_659 : memref<56xi32, #tpu.memory_space<hbm>>) target(%dma_start3A_658 : memref<56xi32, #tpu.memory_space<vmem>>) target_semaphore(%arg9 : memref<!tpu.dma_semaphore, #tpu.memory_space<semaphore_mem>>)
    %add3A_660 = arith.constant 336 : i32
    %add3A_661 = arith.addi %mul3A_32, %add3A_660 : i32
    %dma_start3A_662 = arith.constant 0 : i32
    %dma_start3A_663 = arith.constant 0 : i32
    %dma_start3A_664 = arith.constant 0 : i32
    %dma_start3A_665 = tpu.memref_slice %arg7[%dma_start3A_662, %dma_start3A_663, %dma_start3A_664] : memref<2x56x1024xf32, #tpu.memory_space<vmem>> -> memref<1x56x1024xf32, #tpu.memory_space<vmem>>
    %dma_start3A_666 = tpu.memref_squeeze %dma_start3A_665 : memref<1x56x1024xf32, #tpu.memory_space<vmem>> -> memref<56x1024xf32, #tpu.memory_space<vmem>>
    %dma_start3A_667 = arith.constant 0 : i32
    %dma_start3A_668 = tpu.memref_slice %arg4[%select_n3A, %add3A_661, %dma_start3A_667] : memref<4x4096x1024xf32, #tpu.memory_space<hbm>> -> memref<1x56x1024xf32, #tpu.memory_space<hbm>>
    %dma_start3A_669 = tpu.memref_squeeze %dma_start3A_668 : memref<1x56x1024xf32, #tpu.memory_space<hbm>> -> memref<56x1024xf32, #tpu.memory_space<hbm>>
    %dma_start3A_670 = arith.constant 0 : i32
    %dma_start3A_671 = tpu.memref_slice %arg4[%select_n3A, %add3A_661, %dma_start3A_670] : memref<4x4096x1024xf32, #tpu.memory_space<hbm>> -> memref<1x56x1024xf32, #tpu.memory_space<hbm>>
    %dma_start3A_672 = tpu.memref_squeeze %dma_start3A_671 : memref<1x56x1024xf32, #tpu.memory_space<hbm>> -> memref<56x1024xf32, #tpu.memory_space<hbm>>
    %dma_start3A_673 = arith.constant 0 : i32
    %dma_start3A_674 = arith.constant 0 : i32
    %dma_start3A_675 = tpu.memref_slice %arg7[%dma_start3A_662, %dma_start3A_673, %dma_start3A_674] : memref<2x56x1024xf32, #tpu.memory_space<vmem>> -> memref<1x56x1024xf32, #tpu.memory_space<vmem>>
    %dma_start3A_676 = tpu.memref_squeeze %dma_start3A_675 : memref<1x56x1024xf32, #tpu.memory_space<vmem>> -> memref<56x1024xf32, #tpu.memory_space<vmem>>
    tpu.enqueue_dma source(%dma_start3A_676 : memref<56x1024xf32, #tpu.memory_space<vmem>>) target(%dma_start3A_672 : memref<56x1024xf32, #tpu.memory_space<hbm>>) target_semaphore(%arg14 : memref<!tpu.dma_semaphore, #tpu.memory_space<semaphore_mem>>)
    %add3A_677 = arith.constant 336 : i32
    %add3A_678 = arith.addi %mul3A_32, %add3A_677 : i32
    %dma_wait3A_679 = arith.constant 0 : i32
    %dma_wait3A_680 = arith.constant 0 : i32
    %dma_wait3A_681 = arith.constant 0 : i32
    %dma_wait3A_682 = tpu.memref_slice %arg7[%dma_wait3A_679, %dma_wait3A_680, %dma_wait3A_681] : memref<2x56x1024xf32, #tpu.memory_space<vmem>> -> memref<1x56x1024xf32, #tpu.memory_space<vmem>>
    %dma_wait3A_683 = tpu.memref_squeeze %dma_wait3A_682 : memref<1x56x1024xf32, #tpu.memory_space<vmem>> -> memref<56x1024xf32, #tpu.memory_space<vmem>>
    %dma_wait3A_684 = arith.constant 0 : i32
    %dma_wait3A_685 = tpu.memref_slice %arg4[%select_n3A, %add3A_678, %dma_wait3A_684] : memref<4x4096x1024xf32, #tpu.memory_space<hbm>> -> memref<1x56x1024xf32, #tpu.memory_space<hbm>>
    %dma_wait3A_686 = tpu.memref_squeeze %dma_wait3A_685 : memref<1x56x1024xf32, #tpu.memory_space<hbm>> -> memref<56x1024xf32, #tpu.memory_space<hbm>>
    %dma_wait3A_687 = arith.constant 0 : i32
    %dma_wait3A_688 = tpu.memref_slice %arg4[%select_n3A, %add3A_678, %dma_wait3A_687] : memref<4x4096x1024xf32, #tpu.memory_space<hbm>> -> memref<1x56x1024xf32, #tpu.memory_space<hbm>>
    %dma_wait3A_689 = tpu.memref_squeeze %dma_wait3A_688 : memref<1x56x1024xf32, #tpu.memory_space<hbm>> -> memref<56x1024xf32, #tpu.memory_space<hbm>>
    %dma_wait3A_690 = arith.constant 0 : i32
    %dma_wait3A_691 = arith.constant 0 : i32
    %dma_wait3A_692 = tpu.memref_slice %arg7[%dma_wait3A_679, %dma_wait3A_690, %dma_wait3A_691] : memref<2x56x1024xf32, #tpu.memory_space<vmem>> -> memref<1x56x1024xf32, #tpu.memory_space<vmem>>
    %dma_wait3A_693 = tpu.memref_squeeze %dma_wait3A_692 : memref<1x56x1024xf32, #tpu.memory_space<vmem>> -> memref<56x1024xf32, #tpu.memory_space<vmem>>
    tpu.wait_dma2 semaphore(%arg14 : memref<!tpu.dma_semaphore, #tpu.memory_space<semaphore_mem>>) src(%dma_wait3A_693 : memref<56x1024xf32, #tpu.memory_space<vmem>>) dst(%dma_wait3A_689 : memref<56x1024xf32, #tpu.memory_space<hbm>>)
    %mul3A_694 = arith.constant 4096 : i32
    %mul3A_695 = arith.muli %select_n3A, %mul3A_694 : i32
    %add3A_696 = arith.addi %mul3A_695, %mul3A_32 : i32
    %add3A_697 = arith.constant 448 : i32
    %add3A_698 = arith.addi %add3A_696, %add3A_697 : i32
    %dma_wait3A_699 = arith.constant 0 : i32
    %dma_wait3A_700 = arith.constant 0 : i32
    %dma_wait3A_701 = tpu.memref_slice %arg5[%dma_wait3A_699, %dma_wait3A_700] : memref<2x56xi32, #tpu.memory_space<vmem>> -> memref<1x56xi32, #tpu.memory_space<vmem>>
    %dma_wait3A_702 = tpu.memref_squeeze %dma_wait3A_701 : memref<1x56xi32, #tpu.memory_space<vmem>> -> memref<56xi32, #tpu.memory_space<vmem>>
    %dma_wait3A_703 = tpu.memref_slice %arg2[%add3A_698] : memref<16384xi32, #tpu.memory_space<hbm>> -> memref<56xi32, #tpu.memory_space<hbm>>
    %dma_wait3A_704 = arith.constant 0 : i32
    %dma_wait3A_705 = tpu.memref_slice %arg5[%dma_wait3A_699, %dma_wait3A_704] : memref<2x56xi32, #tpu.memory_space<vmem>> -> memref<1x56xi32, #tpu.memory_space<vmem>>
    %dma_wait3A_706 = tpu.memref_squeeze %dma_wait3A_705 : memref<1x56xi32, #tpu.memory_space<vmem>> -> memref<56xi32, #tpu.memory_space<vmem>>
    %dma_wait3A_707 = tpu.memref_slice %arg2[%add3A_698] : memref<16384xi32, #tpu.memory_space<hbm>> -> memref<56xi32, #tpu.memory_space<hbm>>
    tpu.wait_dma2 semaphore(%arg9 : memref<!tpu.dma_semaphore, #tpu.memory_space<semaphore_mem>>) src(%dma_wait3A_707 : memref<56xi32, #tpu.memory_space<hbm>>) dst(%dma_wait3A_706 : memref<56xi32, #tpu.memory_space<vmem>>)
    %dma_start3A_708 = arith.constant 0 : i32
    %dma_start3A_709 = arith.constant 0 : i32
    %dma_start3A_710 = arith.constant 0 : i32
    %dma_start3A_711 = arith.constant 0 : i32
    %dma_start3A_712 = tpu.memref_slice %arg7[%dma_start3A_709, %dma_start3A_710, %dma_start3A_711] : memref<2x56x1024xf32, #tpu.memory_space<vmem>> -> memref<1x56x1024xf32, #tpu.memory_space<vmem>>
    %dma_start3A_713 = tpu.memref_squeeze %dma_start3A_712 : memref<1x56x1024xf32, #tpu.memory_space<vmem>> -> memref<56x1024xf32, #tpu.memory_space<vmem>>
    %dma_start3A_714 = arith.constant 0 : i32
    %dma_start3A_715 = tpu.memref_slice %arg5[%dma_start3A_708, %dma_start3A_714] : memref<2x56xi32, #tpu.memory_space<vmem>> -> memref<1x56xi32, #tpu.memory_space<vmem>>
    %dma_start3A_716 = tpu.memref_squeeze %dma_start3A_715 : memref<1x56xi32, #tpu.memory_space<vmem>> -> memref<56xi32, #tpu.memory_space<vmem>>
    %dma_start3A_717 = arith.constant 0 : i32
    %dma_start3A_718 = arith.constant 0 : i32
    %dma_start3A_719 = tpu.memref_slice %arg3[%dma_start3A_717, %dma_start3A_718] : memref<100000x1024xf32, #tpu.memory_space<hbm>> -> memref<100000x1024xf32, #tpu.memory_space<hbm>>
    tpu.enqueue_indirect_dma source(%dma_start3A_719 : memref<100000x1024xf32, #tpu.memory_space<hbm>>) target(%dma_start3A_713 : memref<56x1024xf32, #tpu.memory_space<vmem>>) offsets(%dma_start3A_716 : memref<56xi32, #tpu.memory_space<vmem>>) semaphore(%arg12 : memref<!tpu.dma_semaphore, #tpu.memory_space<semaphore_mem>>)
    %dma_wait3A_720 = arith.constant 1 : i32
    %dma_wait3A_721 = arith.constant 1 : i32
    %dma_wait3A_722 = arith.constant 0 : i32
    %dma_wait3A_723 = arith.constant 0 : i32
    %dma_wait3A_724 = tpu.memref_slice %arg7[%dma_wait3A_721, %dma_wait3A_722, %dma_wait3A_723] : memref<2x56x1024xf32, #tpu.memory_space<vmem>> -> memref<1x56x1024xf32, #tpu.memory_space<vmem>>
    %dma_wait3A_725 = tpu.memref_squeeze %dma_wait3A_724 : memref<1x56x1024xf32, #tpu.memory_space<vmem>> -> memref<56x1024xf32, #tpu.memory_space<vmem>>
    %dma_wait3A_726 = arith.constant 0 : i32
    %dma_wait3A_727 = tpu.memref_slice %arg5[%dma_wait3A_720, %dma_wait3A_726] : memref<2x56xi32, #tpu.memory_space<vmem>> -> memref<1x56xi32, #tpu.memory_space<vmem>>
    %dma_wait3A_728 = tpu.memref_squeeze %dma_wait3A_727 : memref<1x56xi32, #tpu.memory_space<vmem>> -> memref<56xi32, #tpu.memory_space<vmem>>
    %dma_wait3A_729 = arith.constant 0 : i32
    %dma_wait3A_730 = arith.constant 0 : i32
    %dma_wait3A_731 = tpu.memref_slice %arg3[%dma_wait3A_729, %dma_wait3A_730] : memref<100000x1024xf32, #tpu.memory_space<hbm>> -> memref<100000x1024xf32, #tpu.memory_space<hbm>>
    tpu.wait_indirect_dma semaphore(%arg13 : memref<!tpu.dma_semaphore, #tpu.memory_space<semaphore_mem>>) src(%dma_wait3A_731 : memref<100000x1024xf32, #tpu.memory_space<hbm>>) dst(%dma_wait3A_725 : memref<56x1024xf32, #tpu.memory_space<vmem>>)
    %add3A_732 = arith.constant 392 : i32
    %add3A_733 = arith.addi %mul3A_32, %add3A_732 : i32
    %dma_start3A_734 = arith.constant 1 : i32
    %dma_start3A_735 = arith.constant 0 : i32
    %dma_start3A_736 = arith.constant 0 : i32
    %dma_start3A_737 = tpu.memref_slice %arg7[%dma_start3A_734, %dma_start3A_735, %dma_start3A_736] : memref<2x56x1024xf32, #tpu.memory_space<vmem>> -> memref<1x56x1024xf32, #tpu.memory_space<vmem>>
    %dma_start3A_738 = tpu.memref_squeeze %dma_start3A_737 : memref<1x56x1024xf32, #tpu.memory_space<vmem>> -> memref<56x1024xf32, #tpu.memory_space<vmem>>
    %dma_start3A_739 = arith.constant 0 : i32
    %dma_start3A_740 = tpu.memref_slice %arg4[%select_n3A, %add3A_733, %dma_start3A_739] : memref<4x4096x1024xf32, #tpu.memory_space<hbm>> -> memref<1x56x1024xf32, #tpu.memory_space<hbm>>
    %dma_start3A_741 = tpu.memref_squeeze %dma_start3A_740 : memref<1x56x1024xf32, #tpu.memory_space<hbm>> -> memref<56x1024xf32, #tpu.memory_space<hbm>>
    %dma_start3A_742 = arith.constant 0 : i32
    %dma_start3A_743 = tpu.memref_slice %arg4[%select_n3A, %add3A_733, %dma_start3A_742] : memref<4x4096x1024xf32, #tpu.memory_space<hbm>> -> memref<1x56x1024xf32, #tpu.memory_space<hbm>>
    %dma_start3A_744 = tpu.memref_squeeze %dma_start3A_743 : memref<1x56x1024xf32, #tpu.memory_space<hbm>> -> memref<56x1024xf32, #tpu.memory_space<hbm>>
    %dma_start3A_745 = arith.constant 0 : i32
    %dma_start3A_746 = arith.constant 0 : i32
    %dma_start3A_747 = tpu.memref_slice %arg7[%dma_start3A_734, %dma_start3A_745, %dma_start3A_746] : memref<2x56x1024xf32, #tpu.memory_space<vmem>> -> memref<1x56x1024xf32, #tpu.memory_space<vmem>>
    %dma_start3A_748 = tpu.memref_squeeze %dma_start3A_747 : memref<1x56x1024xf32, #tpu.memory_space<vmem>> -> memref<56x1024xf32, #tpu.memory_space<vmem>>
    tpu.enqueue_dma source(%dma_start3A_748 : memref<56x1024xf32, #tpu.memory_space<vmem>>) target(%dma_start3A_744 : memref<56x1024xf32, #tpu.memory_space<hbm>>) target_semaphore(%arg15 : memref<!tpu.dma_semaphore, #tpu.memory_space<semaphore_mem>>)
    %add3A_749 = arith.constant 392 : i32
    %add3A_750 = arith.addi %mul3A_32, %add3A_749 : i32
    %dma_wait3A_751 = arith.constant 1 : i32
    %dma_wait3A_752 = arith.constant 0 : i32
    %dma_wait3A_753 = arith.constant 0 : i32
    %dma_wait3A_754 = tpu.memref_slice %arg7[%dma_wait3A_751, %dma_wait3A_752, %dma_wait3A_753] : memref<2x56x1024xf32, #tpu.memory_space<vmem>> -> memref<1x56x1024xf32, #tpu.memory_space<vmem>>
    %dma_wait3A_755 = tpu.memref_squeeze %dma_wait3A_754 : memref<1x56x1024xf32, #tpu.memory_space<vmem>> -> memref<56x1024xf32, #tpu.memory_space<vmem>>
    %dma_wait3A_756 = arith.constant 0 : i32
    %dma_wait3A_757 = tpu.memref_slice %arg4[%select_n3A, %add3A_750, %dma_wait3A_756] : memref<4x4096x1024xf32, #tpu.memory_space<hbm>> -> memref<1x56x1024xf32, #tpu.memory_space<hbm>>
    %dma_wait3A_758 = tpu.memref_squeeze %dma_wait3A_757 : memref<1x56x1024xf32, #tpu.memory_space<hbm>> -> memref<56x1024xf32, #tpu.memory_space<hbm>>
    %dma_wait3A_759 = arith.constant 0 : i32
    %dma_wait3A_760 = tpu.memref_slice %arg4[%select_n3A, %add3A_750, %dma_wait3A_759] : memref<4x4096x1024xf32, #tpu.memory_space<hbm>> -> memref<1x56x1024xf32, #tpu.memory_space<hbm>>
    %dma_wait3A_761 = tpu.memref_squeeze %dma_wait3A_760 : memref<1x56x1024xf32, #tpu.memory_space<hbm>> -> memref<56x1024xf32, #tpu.memory_space<hbm>>
    %dma_wait3A_762 = arith.constant 0 : i32
    %dma_wait3A_763 = arith.constant 0 : i32
    %dma_wait3A_764 = tpu.memref_slice %arg7[%dma_wait3A_751, %dma_wait3A_762, %dma_wait3A_763] : memref<2x56x1024xf32, #tpu.memory_space<vmem>> -> memref<1x56x1024xf32, #tpu.memory_space<vmem>>
    %dma_wait3A_765 = tpu.memref_squeeze %dma_wait3A_764 : memref<1x56x1024xf32, #tpu.memory_space<vmem>> -> memref<56x1024xf32, #tpu.memory_space<vmem>>
    tpu.wait_dma2 semaphore(%arg15 : memref<!tpu.dma_semaphore, #tpu.memory_space<semaphore_mem>>) src(%dma_wait3A_765 : memref<56x1024xf32, #tpu.memory_space<vmem>>) dst(%dma_wait3A_761 : memref<56x1024xf32, #tpu.memory_space<hbm>>)
    %mul3A_766 = arith.constant 4096 : i32
    %mul3A_767 = arith.muli %select_n3A, %mul3A_766 : i32
    %add3A_768 = arith.addi %mul3A_767, %mul3A_32 : i32
    %add3A_769 = arith.constant 504 : i32
    %add3A_770 = arith.addi %add3A_768, %add3A_769 : i32
    %dma_wait3A_771 = tpu.memref_slice %arg2[%add3A_770] : memref<16384xi32, #tpu.memory_space<hbm>> -> memref<8xi32, #tpu.memory_space<hbm>>
    %dma_wait3A_772 = tpu.memref_slice %arg2[%add3A_770] : memref<16384xi32, #tpu.memory_space<hbm>> -> memref<8xi32, #tpu.memory_space<hbm>>
    tpu.wait_dma2 semaphore(%arg11 : memref<!tpu.dma_semaphore, #tpu.memory_space<semaphore_mem>>) src(%dma_wait3A_772 : memref<8xi32, #tpu.memory_space<hbm>>) dst(%arg6 : memref<8xi32, #tpu.memory_space<vmem>>)
    %dma_start3A_773 = arith.constant 0 : i32
    %dma_start3A_774 = arith.constant 0 : i32
    %dma_start3A_775 = tpu.memref_slice %arg8[%dma_start3A_773, %dma_start3A_774] : memref<8x1024xf32, #tpu.memory_space<vmem>> -> memref<8x1024xf32, #tpu.memory_space<vmem>>
    %dma_start3A_776 = arith.constant 0 : i32
    %dma_start3A_777 = arith.constant 0 : i32
    %dma_start3A_778 = tpu.memref_slice %arg3[%dma_start3A_776, %dma_start3A_777] : memref<100000x1024xf32, #tpu.memory_space<hbm>> -> memref<100000x1024xf32, #tpu.memory_space<hbm>>
    tpu.enqueue_indirect_dma source(%dma_start3A_778 : memref<100000x1024xf32, #tpu.memory_space<hbm>>) target(%dma_start3A_775 : memref<8x1024xf32, #tpu.memory_space<vmem>>) offsets(%arg6 : memref<8xi32, #tpu.memory_space<vmem>>) semaphore(%arg13 : memref<!tpu.dma_semaphore, #tpu.memory_space<semaphore_mem>>)
    %dma_wait3A_779 = arith.constant 0 : i32
    %dma_wait3A_780 = arith.constant 0 : i32
    %dma_wait3A_781 = arith.constant 0 : i32
    %dma_wait3A_782 = arith.constant 0 : i32
    %dma_wait3A_783 = tpu.memref_slice %arg7[%dma_wait3A_780, %dma_wait3A_781, %dma_wait3A_782] : memref<2x56x1024xf32, #tpu.memory_space<vmem>> -> memref<1x56x1024xf32, #tpu.memory_space<vmem>>
    %dma_wait3A_784 = tpu.memref_squeeze %dma_wait3A_783 : memref<1x56x1024xf32, #tpu.memory_space<vmem>> -> memref<56x1024xf32, #tpu.memory_space<vmem>>
    %dma_wait3A_785 = arith.constant 0 : i32
    %dma_wait3A_786 = tpu.memref_slice %arg5[%dma_wait3A_779, %dma_wait3A_785] : memref<2x56xi32, #tpu.memory_space<vmem>> -> memref<1x56xi32, #tpu.memory_space<vmem>>
    %dma_wait3A_787 = tpu.memref_squeeze %dma_wait3A_786 : memref<1x56xi32, #tpu.memory_space<vmem>> -> memref<56xi32, #tpu.memory_space<vmem>>
    %dma_wait3A_788 = arith.constant 0 : i32
    %dma_wait3A_789 = arith.constant 0 : i32
    %dma_wait3A_790 = tpu.memref_slice %arg3[%dma_wait3A_788, %dma_wait3A_789] : memref<100000x1024xf32, #tpu.memory_space<hbm>> -> memref<100000x1024xf32, #tpu.memory_space<hbm>>
    tpu.wait_indirect_dma semaphore(%arg12 : memref<!tpu.dma_semaphore, #tpu.memory_space<semaphore_mem>>) src(%dma_wait3A_790 : memref<100000x1024xf32, #tpu.memory_space<hbm>>) dst(%dma_wait3A_784 : memref<56x1024xf32, #tpu.memory_space<vmem>>)
    %add3A_791 = arith.constant 448 : i32
    %add3A_792 = arith.addi %mul3A_32, %add3A_791 : i32
    %dma_start3A_793 = arith.constant 0 : i32
    %dma_start3A_794 = arith.constant 0 : i32
    %dma_start3A_795 = arith.constant 0 : i32
    %dma_start3A_796 = tpu.memref_slice %arg7[%dma_start3A_793, %dma_start3A_794, %dma_start3A_795] : memref<2x56x1024xf32, #tpu.memory_space<vmem>> -> memref<1x56x1024xf32, #tpu.memory_space<vmem>>
    %dma_start3A_797 = tpu.memref_squeeze %dma_start3A_796 : memref<1x56x1024xf32, #tpu.memory_space<vmem>> -> memref<56x1024xf32, #tpu.memory_space<vmem>>
    %dma_start3A_798 = arith.constant 0 : i32
    %dma_start3A_799 = tpu.memref_slice %arg4[%select_n3A, %add3A_792, %dma_start3A_798] : memref<4x4096x1024xf32, #tpu.memory_space<hbm>> -> memref<1x56x1024xf32, #tpu.memory_space<hbm>>
    %dma_start3A_800 = tpu.memref_squeeze %dma_start3A_799 : memref<1x56x1024xf32, #tpu.memory_space<hbm>> -> memref<56x1024xf32, #tpu.memory_space<hbm>>
    %dma_start3A_801 = arith.constant 0 : i32
    %dma_start3A_802 = tpu.memref_slice %arg4[%select_n3A, %add3A_792, %dma_start3A_801] : memref<4x4096x1024xf32, #tpu.memory_space<hbm>> -> memref<1x56x1024xf32, #tpu.memory_space<hbm>>
    %dma_start3A_803 = tpu.memref_squeeze %dma_start3A_802 : memref<1x56x1024xf32, #tpu.memory_space<hbm>> -> memref<56x1024xf32, #tpu.memory_space<hbm>>
    %dma_start3A_804 = arith.constant 0 : i32
    %dma_start3A_805 = arith.constant 0 : i32
    %dma_start3A_806 = tpu.memref_slice %arg7[%dma_start3A_793, %dma_start3A_804, %dma_start3A_805] : memref<2x56x1024xf32, #tpu.memory_space<vmem>> -> memref<1x56x1024xf32, #tpu.memory_space<vmem>>
    %dma_start3A_807 = tpu.memref_squeeze %dma_start3A_806 : memref<1x56x1024xf32, #tpu.memory_space<vmem>> -> memref<56x1024xf32, #tpu.memory_space<vmem>>
    tpu.enqueue_dma source(%dma_start3A_807 : memref<56x1024xf32, #tpu.memory_space<vmem>>) target(%dma_start3A_803 : memref<56x1024xf32, #tpu.memory_space<hbm>>) target_semaphore(%arg14 : memref<!tpu.dma_semaphore, #tpu.memory_space<semaphore_mem>>)
    %dma_wait3A_808 = arith.constant 0 : i32
    %dma_wait3A_809 = arith.constant 0 : i32
    %dma_wait3A_810 = tpu.memref_slice %arg8[%dma_wait3A_808, %dma_wait3A_809] : memref<8x1024xf32, #tpu.memory_space<vmem>> -> memref<8x1024xf32, #tpu.memory_space<vmem>>
    %dma_wait3A_811 = arith.constant 0 : i32
    %dma_wait3A_812 = arith.constant 0 : i32
    %dma_wait3A_813 = tpu.memref_slice %arg3[%dma_wait3A_811, %dma_wait3A_812] : memref<100000x1024xf32, #tpu.memory_space<hbm>> -> memref<100000x1024xf32, #tpu.memory_space<hbm>>
    tpu.wait_indirect_dma semaphore(%arg13 : memref<!tpu.dma_semaphore, #tpu.memory_space<semaphore_mem>>) src(%dma_wait3A_813 : memref<100000x1024xf32, #tpu.memory_space<hbm>>) dst(%dma_wait3A_810 : memref<8x1024xf32, #tpu.memory_space<vmem>>)
    %add3A_814 = arith.constant 504 : i32
    %add3A_815 = arith.addi %mul3A_32, %add3A_814 : i32
    %dma_start3A_816 = arith.constant 0 : i32
    %dma_start3A_817 = arith.constant 0 : i32
    %dma_start3A_818 = tpu.memref_slice %arg8[%dma_start3A_816, %dma_start3A_817] : memref<8x1024xf32, #tpu.memory_space<vmem>> -> memref<8x1024xf32, #tpu.memory_space<vmem>>
    %dma_start3A_819 = arith.constant 0 : i32
    %dma_start3A_820 = tpu.memref_slice %arg4[%select_n3A, %add3A_815, %dma_start3A_819] : memref<4x4096x1024xf32, #tpu.memory_space<hbm>> -> memref<1x8x1024xf32, #tpu.memory_space<hbm>>
    %dma_start3A_821 = tpu.memref_squeeze %dma_start3A_820 : memref<1x8x1024xf32, #tpu.memory_space<hbm>> -> memref<8x1024xf32, #tpu.memory_space<hbm>>
    %dma_start3A_822 = arith.constant 0 : i32
    %dma_start3A_823 = tpu.memref_slice %arg4[%select_n3A, %add3A_815, %dma_start3A_822] : memref<4x4096x1024xf32, #tpu.memory_space<hbm>> -> memref<1x8x1024xf32, #tpu.memory_space<hbm>>
    %dma_start3A_824 = tpu.memref_squeeze %dma_start3A_823 : memref<1x8x1024xf32, #tpu.memory_space<hbm>> -> memref<8x1024xf32, #tpu.memory_space<hbm>>
    %dma_start3A_825 = arith.constant 0 : i32
    %dma_start3A_826 = arith.constant 0 : i32
    %dma_start3A_827 = tpu.memref_slice %arg8[%dma_start3A_825, %dma_start3A_826] : memref<8x1024xf32, #tpu.memory_space<vmem>> -> memref<8x1024xf32, #tpu.memory_space<vmem>>
    tpu.enqueue_dma source(%dma_start3A_827 : memref<8x1024xf32, #tpu.memory_space<vmem>>) target(%dma_start3A_824 : memref<8x1024xf32, #tpu.memory_space<hbm>>) target_semaphore(%arg15 : memref<!tpu.dma_semaphore, #tpu.memory_space<semaphore_mem>>)
    %add3A_828 = arith.constant 448 : i32
    %add3A_829 = arith.addi %mul3A_32, %add3A_828 : i32
    %dma_wait3A_830 = arith.constant 0 : i32
    %dma_wait3A_831 = arith.constant 0 : i32
    %dma_wait3A_832 = arith.constant 0 : i32
    %dma_wait3A_833 = tpu.memref_slice %arg7[%dma_wait3A_830, %dma_wait3A_831, %dma_wait3A_832] : memref<2x56x1024xf32, #tpu.memory_space<vmem>> -> memref<1x56x1024xf32, #tpu.memory_space<vmem>>
    %dma_wait3A_834 = tpu.memref_squeeze %dma_wait3A_833 : memref<1x56x1024xf32, #tpu.memory_space<vmem>> -> memref<56x1024xf32, #tpu.memory_space<vmem>>
    %dma_wait3A_835 = arith.constant 0 : i32
    %dma_wait3A_836 = tpu.memref_slice %arg4[%select_n3A, %add3A_829, %dma_wait3A_835] : memref<4x4096x1024xf32, #tpu.memory_space<hbm>> -> memref<1x56x1024xf32, #tpu.memory_space<hbm>>
    %dma_wait3A_837 = tpu.memref_squeeze %dma_wait3A_836 : memref<1x56x1024xf32, #tpu.memory_space<hbm>> -> memref<56x1024xf32, #tpu.memory_space<hbm>>
    %dma_wait3A_838 = arith.constant 0 : i32
    %dma_wait3A_839 = tpu.memref_slice %arg4[%select_n3A, %add3A_829, %dma_wait3A_838] : memref<4x4096x1024xf32, #tpu.memory_space<hbm>> -> memref<1x56x1024xf32, #tpu.memory_space<hbm>>
    %dma_wait3A_840 = tpu.memref_squeeze %dma_wait3A_839 : memref<1x56x1024xf32, #tpu.memory_space<hbm>> -> memref<56x1024xf32, #tpu.memory_space<hbm>>
    %dma_wait3A_841 = arith.constant 0 : i32
    %dma_wait3A_842 = arith.constant 0 : i32
    %dma_wait3A_843 = tpu.memref_slice %arg7[%dma_wait3A_830, %dma_wait3A_841, %dma_wait3A_842] : memref<2x56x1024xf32, #tpu.memory_space<vmem>> -> memref<1x56x1024xf32, #tpu.memory_space<vmem>>
    %dma_wait3A_844 = tpu.memref_squeeze %dma_wait3A_843 : memref<1x56x1024xf32, #tpu.memory_space<vmem>> -> memref<56x1024xf32, #tpu.memory_space<vmem>>
    tpu.wait_dma2 semaphore(%arg14 : memref<!tpu.dma_semaphore, #tpu.memory_space<semaphore_mem>>) src(%dma_wait3A_844 : memref<56x1024xf32, #tpu.memory_space<vmem>>) dst(%dma_wait3A_840 : memref<56x1024xf32, #tpu.memory_space<hbm>>)
    %add3A_845 = arith.constant 504 : i32
    %add3A_846 = arith.addi %mul3A_32, %add3A_845 : i32
    %dma_wait3A_847 = arith.constant 0 : i32
    %dma_wait3A_848 = arith.constant 0 : i32
    %dma_wait3A_849 = tpu.memref_slice %arg8[%dma_wait3A_847, %dma_wait3A_848] : memref<8x1024xf32, #tpu.memory_space<vmem>> -> memref<8x1024xf32, #tpu.memory_space<vmem>>
    %dma_wait3A_850 = arith.constant 0 : i32
    %dma_wait3A_851 = tpu.memref_slice %arg4[%select_n3A, %add3A_846, %dma_wait3A_850] : memref<4x4096x1024xf32, #tpu.memory_space<hbm>> -> memref<1x8x1024xf32, #tpu.memory_space<hbm>>
    %dma_wait3A_852 = tpu.memref_squeeze %dma_wait3A_851 : memref<1x8x1024xf32, #tpu.memory_space<hbm>> -> memref<8x1024xf32, #tpu.memory_space<hbm>>
    %dma_wait3A_853 = arith.constant 0 : i32
    %dma_wait3A_854 = tpu.memref_slice %arg4[%select_n3A, %add3A_846, %dma_wait3A_853] : memref<4x4096x1024xf32, #tpu.memory_space<hbm>> -> memref<1x8x1024xf32, #tpu.memory_space<hbm>>
    %dma_wait3A_855 = tpu.memref_squeeze %dma_wait3A_854 : memref<1x8x1024xf32, #tpu.memory_space<hbm>> -> memref<8x1024xf32, #tpu.memory_space<hbm>>
    %dma_wait3A_856 = arith.constant 0 : i32
    %dma_wait3A_857 = arith.constant 0 : i32
    %dma_wait3A_858 = tpu.memref_slice %arg8[%dma_wait3A_856, %dma_wait3A_857] : memref<8x1024xf32, #tpu.memory_space<vmem>> -> memref<8x1024xf32, #tpu.memory_space<vmem>>
    tpu.wait_dma2 semaphore(%arg15 : memref<!tpu.dma_semaphore, #tpu.memory_space<semaphore_mem>>) src(%dma_wait3A_858 : memref<8x1024xf32, #tpu.memory_space<vmem>>) dst(%dma_wait3A_855 : memref<8x1024xf32, #tpu.memory_space<hbm>>)
    return
  }
}

</mosaic_0001>

<sc_bundles>
// kernel: kernel.3.cloned.1.call-start
scs
__scs_entry_jumppad:
0x0: {  	(pc) =	sbr.rel $0x88, $3  }
0x1: {  	(tag) =	ssettag $0x0;
	lr =	simm.s32 $0x1  }
0x2: {  	[smem:$0x3F9F] =	sst lr;
	_ =	strace $0xD0000000  }
0x3: {  	_ = 	snop  }
0x4: {  	_ = 	snop  }
0x5: {  	_ = 	snop  }
0x6: {  	_ = 	snop  }
0x7: {  	_ = 	snop  }
__scs_overlays_trampoline_lowered:
0x8: {  	[smem:$0x3FAE] =	sst s0  }
0x9: {  	[smem:$0x3FAF] =	sst s1  }
0xa: {  	[smem:$0x3FB0] =	sst s2  }
0xb: {  	[smem:$0x3FB1] =	sst s3  }
0xc: {  	[smem:$0x3FB2] =	sst s4  }
0xd: {  	[smem:$0x3FB3] =	sst s5  }
0xe: {  	[smem:$0x3FB4] =	sst s6  }
0xf: {  	[smem:$0x3FB5] =	sst s7  }
0x10: {  	[smem:$0x3FB6] =	sst s8  }
0x11: {  	[smem:$0x3FB7] =	sst s9;
	s0 =	simm.s32 @!p0 $0x0  }
0x12: {  	s1 =	sld [smem:$0x3F9D];
	s0 =	simm.s32 @p0 $0x1  }
0x13: {  	[smem:$0x3FB8] =	sst s0;
	s0 =	simm.s32 @!p1 $0x0  }
0x14: {  	s2 =	sld [smem:$0x3F9C];
	s0 =	simm.s32 @p1 $0x1  }
0x15: {  	[smem:$0x3FB9] =	sst s0;
	s0 =	simm.s32 @!p2 $0x0  }
0x16: {  	s3 =	sld [smem:$0x3FDB];
	s0 =	simm.s32 @p2 $0x1  }
0x17: {  	s4 =	simm.s32 $0x1BF5;
	[smem:$0x3FBB] =	sst s0  }
0x18: {  	s0 =	sld [smem:$0x3F9E];
	_ =	swait.ge [sflag:s4], $0x0  }
0x19: {  	s7 =	sld [smem:$0x3F9F]  }
0x1a: {  	s8 =	sadd.s32 $0xFFFFE003, lr  }
0x1b: {  	s9 =	sadd.s32 $0xFFFFFEF7, lr;
	s5 =	simm.s32 $0xFFFFFFFF;
	p2 =	slt.u32 s8, $0xFFFFF086  }
0x1c: {  	p1 =	slt.u32 s9, $0xF7A;
	s5 =	simm.s32 @!p2 $0x0  }
0x1d: {  	s5 =	simm.s32 @p1 $0x1;
	p0 =	seq.s32 s7, s2  }
0x1e: {  	s7 =	smul.u32 @!p0 $0xF7A, s2;
	p2 =	seq.s32 @!p0 s5, $0x0  }
0x1f: {  	s9 =	smul.u32 $0xF7A, s1;
	s8 =	simm.s32 @!p0 $0x1BF5;
	p2 =	por !p2, p0  }
0x20: {  	[sflag:s8] =	ssyncset.s32 @!p0 $0xFFFFF086;
	s6 =	sadd.s32 @!p0 s3, s7;
	s7 =	simm.s32 @!p0 $0x108  }
0x21: {  	s3 =	sadd.s32 s3, s9;
	s6 =	sadd.s32 @!p0 $0x88, s6;
	s7 =	simm.s32 @p2 $0x1082  }
0x22: {  	[simem:s7], [sflag:s8] =	dma.local @!p0 [hbm:s6], $0xF7A  }
0x23: {  	s9 =	sor.u32 $0xD0000000, s2;
	s6 =	simm.s32 $0x108;
	_ =	swait.ge @!p0 [sflag:s8], $0x0  }
0x24: {  	s3 =	sadd.s32 $0x88, s3;
	s6 =	simm.s32 @!p1 $0x1082;
	[sflag:s4] =	ssyncset.s32 $0xFFFFF086  }
0x25: {  	[simem:s6], [sflag:s4] =	dma.local [hbm:s3], $0xF7A  }
0x26: {  	[smem:$0x3F9F] =	sst s1;
	(tag) =	ssettag s2;
	_ =	strace s9  }
0x27: {  	s1 =	sld [smem:$0x3FAF]  }
0x28: {  	s2 =	sld [smem:$0x3FB0]  }
0x29: {  	s4 =	sld [smem:$0x3FB2]  }
0x2a: {  	p0 =	seq.s32 s5, $0x0;
	s5 =	sld [smem:$0x3FB3]  }
0x2b: {  	s6 =	sld [smem:$0x3FB4]  }
0x2c: {  	s7 =	sld [smem:$0x3FB5]  }
0x2d: {  	s3 =	simm.s32 $0x108;
	s8 =	sld [smem:$0x3FB6]  }
0x2e: {  	s3 =	simm.s32 @!p0 $0x1082;
	s9 =	sld [smem:$0x3FB7]  }
0x2f: {  	lr =	sadd.s32 s0, s3;
	s0 =	sld [smem:$0x3FAE]  }
0x30: {  	s3 =	sld [smem:$0x3FB1]  }
0x31: {  	[smem:$0x3FBA] =	sst s10  }
0x32: {  	s10 =	sld [smem:$0x3FB8];
	_ =	sdelay $0x3  }
0x33: {  	p0 =	seq.s32 s10, $0x1;
	s10 =	sld [smem:$0x3FBA];
	_ =	sdelay $0x3  }
0x34: {  	[smem:$0x3FBA] =	sst s10  }
0x35: {  	s10 =	sld [smem:$0x3FB9];
	_ =	sdelay $0x3  }
0x36: {  	p1 =	seq.s32 s10, $0x1;
	s10 =	sld [smem:$0x3FBA];
	_ =	sdelay $0x3  }
0x37: {  	[smem:$0x3FBA] =	sst s10  }
0x38: {  	s10 =	sld [smem:$0x3FBB]  }
0x39: {  	_ = 	snop;
	(pc) =	sbr.ind lr, $3  }
0x3a: {  	_ = 	snop  }
0x3b: {  	_ = 	snop  }
0x3c: {  	p2 =	seq.s32 s10, $0x1;
	s10 =	sld [smem:$0x3FBA]  }
0x3d: {  	_ =	shalt  }
0x3e: {  	_ =	shalt  }
0x3f: {  	_ =	shalt  }
0x40: {  	_ =	shalt  }
0x41: {  	_ =	shalt  }
0x42: {  	_ =	shalt  }
0x43: {  	_ =	shalt  }
0x44: {  	_ =	shalt  }
0x45: {  	_ =	shalt  }
0x46: {  	_ =	shalt  }
0x47: {  	_ =	shalt  }
0x48: {  	_ =	shalt  }
0x49: {  	_ =	shalt  }
0x4a: {  	_ =	shalt  }
0x4b: {  	_ =	shalt  }
0x4c: {  	_ =	shalt  }
0x4d: {  	_ =	shalt  }
0x4e: {  	_ =	shalt  }
0x4f: {  	_ =	shalt  }
0x50: {  	_ =	shalt  }
0x51: {  	_ =	shalt  }
0x52: {  	_ =	shalt  }
0x53: {  	_ =	shalt  }
0x54: {  	_ =	shalt  }
0x55: {  	_ =	shalt  }
0x56: {  	_ =	shalt  }
0x57: {  	_ =	shalt  }
0x58: {  	_ =	shalt  }
0x59: {  	_ =	shalt  }
0x5a: {  	_ =	shalt  }
0x5b: {  	_ =	shalt  }
0x5c: {  	_ =	shalt  }
0x5d: {  	_ =	shalt  }
0x5e: {  	_ =	shalt  }
0x5f: {  	_ =	shalt  }
0x60: {  	_ =	shalt  }
0x61: {  	_ =	shalt  }
0x62: {  	_ =	shalt  }
0x63: {  	_ =	shalt  }
0x64: {  	_ =	shalt  }
0x65: {  	_ =	shalt  }
0x66: {  	_ =	shalt  }
0x67: {  	_ =	shalt  }
0x68: {  	_ =	shalt  }
0x69: {  	_ =	shalt  }
0x6a: {  	_ =	shalt  }
0x6b: {  	_ =	shalt  }
0x6c: {  	_ =	shalt  }
0x6d: {  	_ =	shalt  }
0x6e: {  	_ =	shalt  }
0x6f: {  	_ =	shalt  }
0x70: {  	_ =	shalt  }
0x71: {  	_ =	shalt  }
0x72: {  	_ =	shalt  }
0x73: {  	_ =	shalt  }
0x74: {  	_ =	shalt  }
0x75: {  	_ =	shalt  }
0x76: {  	_ =	shalt  }
0x77: {  	_ =	shalt  }
0x78: {  	_ =	shalt  }
0x79: {  	_ =	shalt  }
0x7a: {  	_ =	shalt  }
0x7b: {  	_ =	shalt  }
0x7c: {  	_ =	shalt  }
0x7d: {  	_ =	shalt  }
0x7e: {  	_ =	shalt  }
0x7f: {  	_ =	shalt  }
0x80: {  	_ =	shalt  }
0x81: {  	_ =	shalt  }
0x82: {  	_ =	shalt  }
0x83: {  	_ =	shalt  }
0x84: {  	_ =	shalt  }
0x85: {  	_ =	shalt  }
0x86: {  	_ =	shalt  }
0x87: {  	_ =	shalt  }
.Lfunc_end0:
.L_simem_size_0:
called_computation_lowered:
.L_overlay_start_0:
0x88: {  	s2 =	sld [smem:$0x3FD9]  }
0x89: {  	s3 =	sld [smem:$0x3FFE];
	_ =	sdelay $0x1  }
0x8a: {  	s1 =	srdreg.scid  }
0x8b: {  	s0 =	sand.u32 $0x1, s1  }
0x8c: {  	s17 =	sshll.u32 s0, $0xA;
	s2 =	sadd.s32 s3, s2  }
0x8d: {  	s2 =	sadd.s32 s2, s17  }
0x8e: {  	[smem:$0x3FC6] =	sst s2  }
0x8f: {  	_ = 	snop  }
0x90: {  	s2 =	sld [smem:$0x3FC8]  }
0x91: {  	s18 =	sld [smem:$0x3FD0];
	(tm) =	ssettm $0x1  }
0x92: {  	s4 =	sld [smem:$0x3FFB];
	_ =	sdelay $0x3  }
0x93: {  	_ =	strace s4  }
0x94: {  	s4 =	sld [smem:$0x3FFC];
	_ =	sdelay $0x3  }
0x95: {  	_ =	strace s4  }
0x96: {  	s4 =	sld [smem:$0x3FFD];
	_ =	sdelay $0x3  }
0x97: {  	_ =	strace s4  }
0x98: {  	_ =	strace $0x8FFFFFFF  }
0x99: {  	s19 =	sld [smem:$0x3FDB];
	_ =	sdelay $0x1  }
0x9a: {  	s5 =	simm.s32 $_scs_section_size  }
0x9b: {  	s6 =	simm.s32 $_size__tile_overlayer_lowered;
	s7 =	simm.s32 $_tile_overlayer_lowered  }
0x9c: {  	s22 =	simm.s32 $0x1BFF;
	s21 =	sshll.u32 s7, $0x1;
	s4 =	sadd.s32 s5, s19  }
0x9d: {  	s8 =	simm.s32 $0x0;
	s20 =	sshll.u32 s6, $0x1;
	s6 =	sadd.s32 s21, s4  }
0x9e: {  	[timem:s8], [sflag:s22] =	dma.local [hbm:s6], s20  }
0x9f: {  	_ =	swait.ge [sflag:s22], s20  }
0xa0: {  	s5 =	ssub.s32 $0x0, s20;
	[sflag:s22] =	ssyncset.done $0x0  }
0xa1: {  	[sflag:s22] =	ssyncadd.s32 s5;
	_ =	sdelay $0x1  }
0xa2: {  	s23 =	simm.s32 $0x1B8B  }
0xa3: {  	_ =	swait.ge [sflag:s23], $0x1  }
0xa4: {  	[sflag:s23] =	ssyncset.done $0x0  }
0xa5: {  	s25 =	simm.s32 $0x1B8E;
	s24 =	sld [smem:$0x3FFE];
	[sflag:s23] =	ssyncadd.s32 $0xFFFFFFFF  }
0xa6: {  	s26 =	simm.s32 $execute0_lowered;
	[smem:$0x3FD2] =	sst s25  }
0xa7: {  	s6 =	sshll.u32 s26, $0x1;
	_ =	strace $0x80000046;
	[dreg:$0x1] =	wrdreg $0xFFFFFFFF  }
0xa8: {  	s28 =	simm.s32 $_size_execute0_lowered;
	s4 =	sadd.s32 s4, s6;
	[dreg:$0x0] =	wrdreg $0x0  }
0xa9: {  	s6 =	sshll.u32 s28, $0x1;
	[dreg:$0x2] =	wrdreg s4  }
0xaa: {  	[dreg:$0x3] =	wrdreg s6  }
0xab: {  	[dreg:$0x4] =	wrdreg $0xC0  }
0xac: {  	_ =	task [dreg:s8], $0x5FFFF  }
0xad: {  	[dreg:$0x1] =	wrdreg $0xFFFFFFFF  }
0xae: {  	[dreg:$0x0] =	wrdreg $0x60  }
0xaf: {  	[dreg:$0x2] =	wrdreg s24  }
0xb0: {  	[dreg:$0x3] =	wrdreg s2  }
0xb1: {  	[dreg:$0x4] =	wrdreg s18  }
0xb2: {  	[dreg:$0x5] =	wrdreg $0x9  }
0xb3: {  	_ =	task.clear_ibuf [dreg:s8], $0x6FFFF;
	_ =	strace $0x90000046  }
0xb4: {  	s29 =	simm.s32 $0x9;
	_ =	strace $0x80000048  }
0xb5: {  	_ =	swait.ge [sflag:s29], $0x1  }
0xb6: {  	[sflag:s29] =	ssyncadd.s32 $0xFFFFFFFF  }
0xb7: {  	_ =	strace $0x90000048  }
0xb8: {  	_ =	sfence  }
0xb9: {  	s30 =	sld [smem:$0x0];
	_ =	sdelay $0x2  }
0xba: {  	s31 =	sshll.u32 s1, $0xD;
	s1 =	sshrl.u32 s1, $0x2  }
0xbb: {  	s3 =	sand.u32 $0x4000, s31;
	s1 =	sadd.s32 s1, s30  }
0xbc: {  	s0 =	sor.u32 s3, s0;
	s1 =	sshll.u32 s1, $0x11  }
0xbd: {  	s0 =	sor.u32 s1, s0  }
0xbe: {  	s0 =	sadd.s32 $0x8F2B, s0  }
0xbf: {  	[sflag:s0] =	ssyncadd.remote.s32 $0x1  }
0xc0: {  	_ =	sfence.sel $0xFFFF  }
0xc1: {  	[dreg:$0x0] =	wrdreg $0xFFFFFFFF;
	(pc) =	sbr.abs _section_cstart, $3  }
0xc2: {  	[dreg:$0x1] =	wrdreg $0xFFFFFFFF  }
0xc3: {  	_ =	task.clear_ibuf [dreg:s8], $0x2FFFF;
	_ =	strace $0x9FFFFFFF  }
0xc4: {  	(tm) =	ssettm $0x7FFFFFFF  }
0xc5: {  	_ =	shalt  }
tec
execute0_lowered:
.L_overlay_start_1:
0x0: {  	(tag) =	ssettag $0x1  }
0x1: {  	s4 =	rddreg [dreg:$0x0]  }
0x2: {  	s3 =	stileid.u32;
	s2 =	rddreg [dreg:$0x1]  }
0x3: {  	s0 =	srdreg.scid;
	s6 =	rddreg [dreg:$0x2];
	s28 =	simm.s32 $0x100  }
0x4: {  	s29 =	simm.s32 $0x1C980;
	s30 =	simm.s32 $0x1D180;
	s1 =	sshll.u32 s3, $0x1  }
0x5: {  	s0 =	sand.u32 $0x1, s0;
	s5 =	sshrl.u32 s3, $0x2;
	s3 =	simm.s32 $0x0  }
0x6: {  	s1 =	sand.u32 $0x6, s1;
	s8 =	sshll.u32 s5, $0x9;
	[smem:$0x7FF] =	sst s3  }
0x7: {  	s5 =	sshll.u32 s5, $0x13;
	s1 =	sor.u32 s0, s1;
	_ =	strace $0x80000047  }
0x8: {  	[dreg:$0x17] =	wrdreg s28;
	s7 =	sshll.u32 s1, $0x6;
	s1 =	sshll.u32 s1, $0x10  }
0x9: {  	[dreg:$0x18] =	wrdreg s29;
	s7 =	sor.u32 s8, s7;
	s1 =	sor.u32 s5, s1  }
0xa: {  	[dreg:$0x19] =	wrdreg s30;
	s4 =	sadd.s32 s7, s4;
	s10 =	sadd.s32 s6, s1  }
0xb: {  	s7 =	sadd.s32 $0x400, s4;
	[dreg:$0x1b] =	wrdreg s10  }
0xc: {  	s31 =	sadd.s32 $0x407, s4;
	[dreg:$0x4] =	wrdreg s7  }
0xd: {  	s8 =	sadd.s32 $0x43F, s4;
	[dreg:$0x5] =	wrdreg s31  }
0xe: {  	s9 =	sadd.s32 $0x40E, s4;
	[dreg:$0x6] =	wrdreg s8  }
0xf: {  	s11 =	sadd.s32 $0x415, s4;
	[dreg:$0x7] =	wrdreg s9  }
0x10: {  	s12 =	sadd.s32 $0x1C00, s10;
	[dreg:$0x8] =	wrdreg s11  }
0x11: {  	s13 =	sadd.s32 $0x41C, s4;
	[dreg:$0x9] =	wrdreg s12  }
0x12: {  	s14 =	sadd.s32 $0x3800, s10;
	[dreg:$0xa] =	wrdreg s13  }
0x13: {  	s15 =	sadd.s32 $0x423, s4;
	[dreg:$0xb] =	wrdreg s14  }
0x14: {  	s16 =	sadd.s32 $0x5400, s10;
	[dreg:$0xc] =	wrdreg s15  }
0x15: {  	s17 =	sadd.s32 $0x42A, s4;
	[dreg:$0xd] =	wrdreg s16  }
0x16: {  	s18 =	sadd.s32 $0x7000, s10;
	[dreg:$0xe] =	wrdreg s17  }
0x17: {  	s19 =	sadd.s32 $0x431, s4;
	[dreg:$0xf] =	wrdreg s18  }
0x18: {  	s0 =	ssub.s32 $0x2, s0;
	s20 =	sadd.s32 $0x8C00, s10;
	[dreg:$0x10] =	wrdreg s19  }
0x19: {  	s21 =	sshrl.u32 s0, $0x1;
	s22 =	sadd.s32 $0x438, s4;
	[dreg:$0x11] =	wrdreg s20  }
0x1a: {  	s0 =	ssub.s32 s0, s21;
	s23 =	sadd.s32 $0xA800, s10;
	[dreg:$0x12] =	wrdreg s22  }
0x1b: {  	s5 =	sadd.s32 $0x100, s2;
	s24 =	sadd.s32 $0xC400, s10;
	[dreg:$0x13] =	wrdreg s23  }
0x1c: {  	s21 =	simm.s32 $0x7;
	s25 =	sadd.s32 $0xE000, s10;
	[dreg:$0x14] =	wrdreg s24  }
0x1d: {  	s6 =	sadd.s32 $0x200, s2;
	s26 =	sadd.s32 $0xFC00, s10;
	[dreg:$0x15] =	wrdreg s25  }
0x1e: {  	v2 =	vlaneseq.u32;
	s10 =	simm.s32 $0x1;
	s7 =	sadd.s32 $0x300, s2;
	[dreg:$0x16] =	wrdreg s26  }
0x1f: {  	vm0 =	vmmov $0xffff;
	v1 =	vshrl.u32 v2, $0x3;
	s8 =	smax.u32 s0, $0x1;
	s31 =	simm.s32 $0x1D980;
	s18 =	simm.s32 $0x4  }
0x20: {  	v0 =	vand.u32 $0x7, v2;
	v2 =	vor.u32 $0x8, v2;
	v1 =	vmul.u32 $0x8, v1;
	s19 =	simm.s32 $0x6;
	s20 =	simm.s32 $0x5;
	[dreg:$0x1a] =	wrdreg s31  }
.LBB2_1:
0x21: {  	s22 =	rddreg [dreg:$0x4]  }
0x22: {  	s14 =	rddreg [dreg:$0x5]  }
0x23: {  	[tilespmem:s3], [sflag:$0x1] =	stream.linear.gather [hbm4b:s22+s3], $0x38, $0x38;
	[tilespmem:$0x1E180] =	vst v63  }
0x24: {  	s23 =	rddreg [dreg:$0x6];
	s0 =	simm.s32 $0x80  }
0x25: {  	[tilespmem:s0], [sflag:$0x2] =	stream.linear.gather [hbm4b:s14+s3], $0x38, $0x38;
	[tilespmem:$0x1E180] =	vst v63  }
0x26: {  	s24 =	rddreg [dreg:$0x17]  }
0x27: {  	[tilespmem:s24], [sflag:$0x3] =	stream.linear.gather [hbm4b:s23+s3], $0x8, $0x38;
	[tilespmem:$0x1E180] =	vst v63  }
0x28: {  	_ =	swait.ge [sflag:s10], $0x38  }
0x29: {  	[sflag:s10] =	ssyncset.done $0x0  }
0x2a: {  	[sflag:s10] =	ssyncadd.s32 $0xFFFFFFC8  }
0x2b: {  	v3 =	vld [tilespmem:$0x0];
	_ =	sdelay $0x4  }
0x2c: {  	v4 =	vshll.u32 v3, $0x3  }
0x2d: {  	v3 =	vand.u32 $0x7, v3;
	v4 =	vand.u32 $0xFFFFFFC0, v4  }
0x2e: {  	v3 =	vor.u32 v3, v4  }
0x2f: {  	v4 =	vperm.xlane v3, v0;
	_ =	sdelay $0x1  }
0x30: {  	v4 =	vadd.s32 v1, v4;
	_ =	sdelay $0x3  }
0x31: {  	s15 =	simm.s32 $0x180  }
0x32: {  	[tilespmem:s15], [sflag:$0x4] =	stream.indirect_vreg.gather [hbm4b:s2+s3], $0x80, v4, vm0, $0xb8;
	[tilespmem:$0x1E180] =	vst v63  }
0x33: {  	s16 =	simm.s32 $0x980;
	v3 =	vperm.xlane v3, v2  }
0x34: {  	[tilespmem:s16], [sflag:$0x4] =	stream.indirect_vreg.gather [hbm4b:s5+s3], $0x80, v4, vm0, $0xb8;
	[tilespmem:$0x1E180] =	vst v63  }
0x35: {  	s17 =	simm.s32 $0x1180;
	v3 =	vadd.s32 v1, v3  }
0x36: {  	[tilespmem:s17], [sflag:$0x4] =	stream.indirect_vreg.gather [hbm4b:s6+s3], $0x80, v4, vm0, $0xb8;
	[tilespmem:$0x1E180] =	vst v63  }
0x37: {  	s22 =	simm.s32 $0x1980  }
0x38: {  	[tilespmem:s22], [sflag:$0x4] =	stream.indirect_vreg.gather [hbm4b:s7+s3], $0x80, v4, vm0, $0xb8;
	[tilespmem:$0x1E180] =	vst v63  }
0x39: {  	s23 =	simm.s32 $0x2180  }
0x3a: {  	[tilespmem:s23], [sflag:$0x4] =	stream.indirect_vreg.gather [hbm4b:s2+s3], $0x80, v3, vm0, $0xb8;
	[tilespmem:$0x1E180] =	vst v63  }
0x3b: {  	s24 =	simm.s32 $0x2980  }
0x3c: {  	[tilespmem:s24], [sflag:$0x4] =	stream.indirect_vreg.gather [hbm4b:s5+s3], $0x80, v3, vm0, $0xb8;
	[tilespmem:$0x1E180] =	vst v63  }
0x3d: {  	s25 =	simm.s32 $0x3180  }
0x3e: {  	[tilespmem:s25], [sflag:$0x4] =	stream.indirect_vreg.gather [hbm4b:s6+s3], $0x80, v3, vm0, $0xb8;
	[tilespmem:$0x1E180] =	vst v63  }
0x3f: {  	s26 =	simm.s32 $0x3980  }
0x40: {  	[tilespmem:s26], [sflag:$0x4] =	stream.indirect_vreg.gather [hbm4b:s7+s3], $0x80, v3, vm0, $0xb8;
	[tilespmem:$0x1E180] =	vst v63  }
0x41: {  	v3 =	vld [tilespmem:$0x10];
	_ =	sdelay $0x4  }
0x42: {  	v28 =	vshll.u32 v3, $0x3  }
0x43: {  	v3 =	vand.u32 $0x7, v3;
	v4 =	vand.u32 $0xFFFFFFC0, v28  }
0x44: {  	v3 =	vor.u32 v3, v4  }
0x45: {  	v4 =	vperm.xlane v3, v0;
	_ =	sdelay $0x1  }
0x46: {  	v4 =	vadd.s32 v1, v4;
	_ =	sdelay $0x3  }
0x47: {  	s28 =	simm.s32 $0x4180  }
0x48: {  	[tilespmem:s28], [sflag:$0x4] =	stream.indirect_vreg.gather [hbm4b:s2+s3], $0x80, v4, vm0, $0xb8;
	[tilespmem:$0x1E180] =	vst v63  }
0x49: {  	s29 =	simm.s32 $0x4980;
	v3 =	vperm.xlane v3, v2  }
0x4a: {  	[tilespmem:s29], [sflag:$0x4] =	stream.indirect_vreg.gather [hbm4b:s5+s3], $0x80, v4, vm0, $0xb8;
	[tilespmem:$0x1E180] =	vst v63  }
0x4b: {  	s30 =	simm.s32 $0x5180;
	v3 =	vadd.s32 v1, v3  }
0x4c: {  	[tilespmem:s30], [sflag:$0x4] =	stream.indirect_vreg.gather [hbm4b:s6+s3], $0x80, v4, vm0, $0xb8;
	[tilespmem:$0x1E180] =	vst v63  }
0x4d: {  	s31 =	simm.s32 $0x5980  }
0x4e: {  	[tilespmem:s31], [sflag:$0x4] =	stream.indirect_vreg.gather [hbm4b:s7+s3], $0x80, v4, vm0, $0xb8;
	[tilespmem:$0x1E180] =	vst v63  }
0x4f: {  	s9 =	simm.s32 $0x6180  }
0x50: {  	[tilespmem:s9], [sflag:$0x4] =	stream.indirect_vreg.gather [hbm4b:s2+s3], $0x80, v3, vm0, $0xb8;
	[tilespmem:$0x1E180] =	vst v63  }
0x51: {  	s15 =	simm.s32 $0x6980  }
0x52: {  	[tilespmem:s15], [sflag:$0x4] =	stream.indirect_vreg.gather [hbm4b:s5+s3], $0x80, v3, vm0, $0xb8;
	[tilespmem:$0x1E180] =	vst v63  }
0x53: {  	s16 =	simm.s32 $0x7180  }
0x54: {  	[tilespmem:s16], [sflag:$0x4] =	stream.indirect_vreg.gather [hbm4b:s6+s3], $0x80, v3, vm0, $0xb8;
	[tilespmem:$0x1E180] =	vst v63  }
0x55: {  	s17 =	simm.s32 $0x7980  }
0x56: {  	[tilespmem:s17], [sflag:$0x4] =	stream.indirect_vreg.gather [hbm4b:s7+s3], $0x80, v3, vm0, $0xb8;
	[tilespmem:$0x1E180] =	vst v63  }
0x57: {  	v3 =	vld [tilespmem:$0x20];
	_ =	sdelay $0x4  }
0x58: {  	v29 =	vshll.u32 v3, $0x3  }
0x59: {  	v3 =	vand.u32 $0x7, v3;
	v4 =	vand.u32 $0xFFFFFFC0, v29  }
0x5a: {  	v3 =	vor.u32 v3, v4  }
0x5b: {  	v4 =	vperm.xlane v3, v0;
	_ =	sdelay $0x1  }
0x5c: {  	v4 =	vadd.s32 v1, v4;
	_ =	sdelay $0x3  }
0x5d: {  	s22 =	simm.s32 $0x8180  }
0x5e: {  	[tilespmem:s22], [sflag:$0x4] =	stream.indirect_vreg.gather [hbm4b:s2+s3], $0x80, v4, vm0, $0xb8;
	[tilespmem:$0x1E180] =	vst v63  }
0x5f: {  	s23 =	simm.s32 $0x8980;
	v3 =	vperm.xlane v3, v2  }
0x60: {  	[tilespmem:s23], [sflag:$0x4] =	stream.indirect_vreg.gather [hbm4b:s5+s3], $0x80, v4, vm0, $0xb8;
	[tilespmem:$0x1E180] =	vst v63  }
0x61: {  	s24 =	simm.s32 $0x9180;
	v3 =	vadd.s32 v1, v3  }
0x62: {  	[tilespmem:s24], [sflag:$0x4] =	stream.indirect_vreg.gather [hbm4b:s6+s3], $0x80, v4, vm0, $0xb8;
	[tilespmem:$0x1E180] =	vst v63  }
0x63: {  	s29 =	simm.s32 $0x9980  }
0x64: {  	[tilespmem:s29], [sflag:$0x4] =	stream.indirect_vreg.gather [hbm4b:s7+s3], $0x80, v4, vm0, $0xb8;
	[tilespmem:$0x1E180] =	vst v63  }
0x65: {  	s30 =	simm.s32 $0xA180  }
0x66: {  	[tilespmem:s30], [sflag:$0x4] =	stream.indirect_vreg.gather [hbm4b:s2+s3], $0x80, v3, vm0, $0xb8;
	[tilespmem:$0x1E180] =	vst v63  }
0x67: {  	s31 =	simm.s32 $0xA980  }
0x68: {  	[tilespmem:s31], [sflag:$0x4] =	stream.indirect_vreg.gather [hbm4b:s5+s3], $0x80, v3, vm0, $0xb8;
	[tilespmem:$0x1E180] =	vst v63  }
0x69: {  	s9 =	simm.s32 $0xB180  }
0x6a: {  	[tilespmem:s9], [sflag:$0x4] =	stream.indirect_vreg.gather [hbm4b:s6+s3], $0x80, v3, vm0, $0xb8;
	[tilespmem:$0x1E180] =	vst v63  }
0x6b: {  	s15 =	simm.s32 $0xB980  }
0x6c: {  	[tilespmem:s15], [sflag:$0x4] =	stream.indirect_vreg.gather [hbm4b:s7+s3], $0x80, v3, vm0, $0xb8;
	[tilespmem:$0x1E180] =	vst v63  }
0x6d: {  	v3 =	vld.msk [tilespmem:$0x30], $0xff;
	_ =	sdelay $0x4  }
0x6e: {  	v30 =	vshll.u32 v3, $0x3  }
0x6f: {  	v3 =	vand.u32 $0x7, v3;
	v4 =	vand.u32 $0xFFFFFFC0, v30  }
0x70: {  	v3 =	vor.u32 v3, v4  }
0x71: {  	v3 =	vperm.xlane v3, v0;
	_ =	sdelay $0x1  }
0x72: {  	v3 =	vadd.s32 v1, v3;
	_ =	sdelay $0x3  }
0x73: {  	s16 =	simm.s32 $0xC180  }
0x74: {  	[tilespmem:s16], [sflag:$0x4] =	stream.indirect_vreg.gather [hbm4b:s2+s3], $0x80, v3, vm0, $0xb8;
	[tilespmem:$0x1E180] =	vst v63  }
0x75: {  	s17 =	simm.s32 $0xC980  }
0x76: {  	[tilespmem:s17], [sflag:$0x4] =	stream.indirect_vreg.gather [hbm4b:s5+s3], $0x80, v3, vm0, $0xb8;
	[tilespmem:$0x1E180] =	vst v63  }
0x77: {  	s22 =	simm.s32 $0xD180  }
0x78: {  	[tilespmem:s22], [sflag:$0x4] =	stream.indirect_vreg.gather [hbm4b:s6+s3], $0x80, v3, vm0, $0xb8;
	[tilespmem:$0x1E180] =	vst v63  }
0x79: {  	s0 =	simm.s32 $0x2;
	s23 =	simm.s32 $0xD980  }
0x7a: {  	[tilespmem:s23], [sflag:$0x4] =	stream.indirect_vreg.gather [hbm4b:s7+s3], $0x80, v3, vm0, $0xb8;
	[tilespmem:$0x1E180] =	vst v63  }
0x7b: {  	_ =	swait.ge [sflag:s0], $0x38  }
0x7c: {  	[sflag:s0] =	ssyncset.done $0x0  }
0x7d: {  	[sflag:s0] =	ssyncadd.s32 $0xFFFFFFC8  }
0x7e: {  	v3 =	vld [tilespmem:$0x80];
	_ =	sdelay $0x4  }
0x7f: {  	v31 =	vshll.u32 v3, $0x3  }
0x80: {  	v3 =	vand.u32 $0x7, v3;
	v4 =	vand.u32 $0xFFFFFFC0, v31  }
0x81: {  	v3 =	vor.u32 v3, v4  }
0x82: {  	v4 =	vperm.xlane v3, v0;
	_ =	sdelay $0x1  }
0x83: {  	v4 =	vadd.s32 v1, v4;
	_ =	sdelay $0x3  }
0x84: {  	s9 =	simm.s32 $0xE180  }
0x85: {  	[tilespmem:s9], [sflag:$0x5] =	stream.indirect_vreg.gather [hbm4b:s2+s3], $0x80, v4, vm0, $0xb8;
	[tilespmem:$0x1E180] =	vst v63  }
0x86: {  	s24 =	simm.s32 $0xE980;
	v3 =	vperm.xlane v3, v2  }
0x87: {  	[tilespmem:s24], [sflag:$0x5] =	stream.indirect_vreg.gather [hbm4b:s5+s3], $0x80, v4, vm0, $0xb8;
	[tilespmem:$0x1E180] =	vst v63  }
0x88: {  	s29 =	simm.s32 $0xF180;
	v3 =	vadd.s32 v1, v3  }
0x89: {  	[tilespmem:s29], [sflag:$0x5] =	stream.indirect_vreg.gather [hbm4b:s6+s3], $0x80, v4, vm0, $0xb8;
	[tilespmem:$0x1E180] =	vst v63  }
0x8a: {  	s30 =	simm.s32 $0xF980  }
0x8b: {  	[tilespmem:s30], [sflag:$0x5] =	stream.indirect_vreg.gather [hbm4b:s7+s3], $0x80, v4, vm0, $0xb8;
	[tilespmem:$0x1E180] =	vst v63  }
0x8c: {  	s15 =	simm.s32 $0x10180  }
0x8d: {  	[tilespmem:s15], [sflag:$0x5] =	stream.indirect_vreg.gather [hbm4b:s2+s3], $0x80, v3, vm0, $0xb8;
	[tilespmem:$0x1E180] =	vst v63  }
0x8e: {  	s17 =	simm.s32 $0x10980  }
0x8f: {  	[tilespmem:s17], [sflag:$0x5] =	stream.indirect_vreg.gather [hbm4b:s5+s3], $0x80, v3, vm0, $0xb8;
	[tilespmem:$0x1E180] =	vst v63  }
0x90: {  	s22 =	simm.s32 $0x11180  }
0x91: {  	[tilespmem:s22], [sflag:$0x5] =	stream.indirect_vreg.gather [hbm4b:s6+s3], $0x80, v3, vm0, $0xb8;
	[tilespmem:$0x1E180] =	vst v63  }
0x92: {  	s29 =	simm.s32 $0x11980  }
0x93: {  	[tilespmem:s29], [sflag:$0x5] =	stream.indirect_vreg.gather [hbm4b:s7+s3], $0x80, v3, vm0, $0xb8;
	[tilespmem:$0x1E180] =	vst v63  }
0x94: {  	v3 =	vld [tilespmem:$0x90];
	_ =	sdelay $0x4  }
0x95: {  	v32 =	vshll.u32 v3, $0x3  }
0x96: {  	v3 =	vand.u32 $0x7, v3;
	v4 =	vand.u32 $0xFFFFFFC0, v32  }
0x97: {  	v3 =	vor.u32 v3, v4  }
0x98: {  	v4 =	vperm.xlane v3, v0;
	_ =	sdelay $0x1  }
0x99: {  	v4 =	vadd.s32 v1, v4;
	_ =	sdelay $0x3  }
0x9a: {  	s30 =	simm.s32 $0x12180  }
0x9b: {  	[tilespmem:s30], [sflag:$0x5] =	stream.indirect_vreg.gather [hbm4b:s2+s3], $0x80, v4, vm0, $0xb8;
	[tilespmem:$0x1E180] =	vst v63  }
0x9c: {  	s15 =	simm.s32 $0x12980;
	v3 =	vperm.xlane v3, v2  }
0x9d: {  	[tilespmem:s15], [sflag:$0x5] =	stream.indirect_vreg.gather [hbm4b:s5+s3], $0x80, v4, vm0, $0xb8;
	[tilespmem:$0x1E180] =	vst v63  }
0x9e: {  	s17 =	simm.s32 $0x13180;
	v3 =	vadd.s32 v1, v3  }
0x9f: {  	[tilespmem:s17], [sflag:$0x5] =	stream.indirect_vreg.gather [hbm4b:s6+s3], $0x80, v4, vm0, $0xb8;
	[tilespmem:$0x1E180] =	vst v63  }
0xa0: {  	s22 =	simm.s32 $0x13980  }
0xa1: {  	[tilespmem:s22], [sflag:$0x5] =	stream.indirect_vreg.gather [hbm4b:s7+s3], $0x80, v4, vm0, $0xb8;
	[tilespmem:$0x1E180] =	vst v63  }
0xa2: {  	s29 =	simm.s32 $0x14180  }
0xa3: {  	[tilespmem:s29], [sflag:$0x5] =	stream.indirect_vreg.gather [hbm4b:s2+s3], $0x80, v3, vm0, $0xb8;
	[tilespmem:$0x1E180] =	vst v63  }
0xa4: {  	s30 =	simm.s32 $0x14980  }
0xa5: {  	[tilespmem:s30], [sflag:$0x5] =	stream.indirect_vreg.gather [hbm4b:s5+s3], $0x80, v3, vm0, $0xb8;
	[tilespmem:$0x1E180] =	vst v63  }
0xa6: {  	s15 =	simm.s32 $0x15180  }
0xa7: {  	[tilespmem:s15], [sflag:$0x5] =	stream.indirect_vreg.gather [hbm4b:s6+s3], $0x80, v3, vm0, $0xb8;
	[tilespmem:$0x1E180] =	vst v63  }
0xa8: {  	s17 =	simm.s32 $0x15980  }
0xa9: {  	[tilespmem:s17], [sflag:$0x5] =	stream.indirect_vreg.gather [hbm4b:s7+s3], $0x80, v3, vm0, $0xb8;
	[tilespmem:$0x1E180] =	vst v63  }
0xaa: {  	v3 =	vld [tilespmem:$0xA0];
	_ =	sdelay $0x4  }
0xab: {  	v33 =	vshll.u32 v3, $0x3  }
0xac: {  	v3 =	vand.u32 $0x7, v3;
	v4 =	vand.u32 $0xFFFFFFC0, v33  }
0xad: {  	v3 =	vor.u32 v3, v4  }
0xae: {  	v4 =	vperm.xlane v3, v0;
	_ =	sdelay $0x1  }
0xaf: {  	v4 =	vadd.s32 v1, v4;
	_ =	sdelay $0x3  }
0xb0: {  	s22 =	simm.s32 $0x16180  }
0xb1: {  	[tilespmem:s22], [sflag:$0x5] =	stream.indirect_vreg.gather [hbm4b:s2+s3], $0x80, v4, vm0, $0xb8;
	[tilespmem:$0x1E180] =	vst v63  }
0xb2: {  	s29 =	simm.s32 $0x16980;
	v3 =	vperm.xlane v3, v2  }
0xb3: {  	[tilespmem:s29], [sflag:$0x5] =	stream.indirect_vreg.gather [hbm4b:s5+s3], $0x80, v4, vm0, $0xb8;
	[tilespmem:$0x1E180] =	vst v63  }
0xb4: {  	s30 =	simm.s32 $0x17180;
	v3 =	vadd.s32 v1, v3  }
0xb5: {  	[tilespmem:s30], [sflag:$0x5] =	stream.indirect_vreg.gather [hbm4b:s6+s3], $0x80, v4, vm0, $0xb8;
	[tilespmem:$0x1E180] =	vst v63  }
0xb6: {  	s15 =	simm.s32 $0x17980  }
0xb7: {  	[tilespmem:s15], [sflag:$0x5] =	stream.indirect_vreg.gather [hbm4b:s7+s3], $0x80, v4, vm0, $0xb8;
	[tilespmem:$0x1E180] =	vst v63  }
0xb8: {  	s17 =	simm.s32 $0x18180  }
0xb9: {  	[tilespmem:s17], [sflag:$0x5] =	stream.indirect_vreg.gather [hbm4b:s2+s3], $0x80, v3, vm0, $0xb8;
	[tilespmem:$0x1E180] =	vst v63  }
0xba: {  	s22 =	simm.s32 $0x18980  }
0xbb: {  	[tilespmem:s22], [sflag:$0x5] =	stream.indirect_vreg.gather [hbm4b:s5+s3], $0x80, v3, vm0, $0xb8;
	[tilespmem:$0x1E180] =	vst v63  }
0xbc: {  	s29 =	simm.s32 $0x19180  }
0xbd: {  	[tilespmem:s29], [sflag:$0x5] =	stream.indirect_vreg.gather [hbm4b:s6+s3], $0x80, v3, vm0, $0xb8;
	[tilespmem:$0x1E180] =	vst v63  }
0xbe: {  	s30 =	simm.s32 $0x19980  }
0xbf: {  	[tilespmem:s30], [sflag:$0x5] =	stream.indirect_vreg.gather [hbm4b:s7+s3], $0x80, v3, vm0, $0xb8;
	[tilespmem:$0x1E180] =	vst v63  }
0xc0: {  	v3 =	vld.msk [tilespmem:$0xB0], $0xff;
	_ =	sdelay $0x4  }
0xc1: {  	v34 =	vshll.u32 v3, $0x3  }
0xc2: {  	v3 =	vand.u32 $0x7, v3;
	v4 =	vand.u32 $0xFFFFFFC0, v34  }
0xc3: {  	v3 =	vor.u32 v3, v4  }
0xc4: {  	v3 =	vperm.xlane v3, v0;
	_ =	sdelay $0x1  }
0xc5: {  	v3 =	vadd.s32 v1, v3;
	_ =	sdelay $0x3  }
0xc6: {  	s15 =	simm.s32 $0x1A180  }
0xc7: {  	[tilespmem:s15], [sflag:$0x5] =	stream.indirect_vreg.gather [hbm4b:s2+s3], $0x80, v3, vm0, $0xb8;
	[tilespmem:$0x1E180] =	vst v63  }
0xc8: {  	s17 =	simm.s32 $0x1A980  }
0xc9: {  	[tilespmem:s17], [sflag:$0x5] =	stream.indirect_vreg.gather [hbm4b:s5+s3], $0x80, v3, vm0, $0xb8;
	[tilespmem:$0x1E180] =	vst v63  }
0xca: {  	s22 =	simm.s32 $0x1B180  }
0xcb: {  	[tilespmem:s22], [sflag:$0x5] =	stream.indirect_vreg.gather [hbm4b:s6+s3], $0x80, v3, vm0, $0xb8;
	[tilespmem:$0x1E180] =	vst v63  }
0xcc: {  	s29 =	simm.s32 $0x1B980  }
0xcd: {  	[tilespmem:s29], [sflag:$0x5] =	stream.indirect_vreg.gather [hbm4b:s7+s3], $0x80, v3, vm0, $0xb8;
	[tilespmem:$0x1E180] =	vst v63  }
0xce: {  	_ =	swait.ge [sflag:s18], $0xE000  }
0xcf: {  	[sflag:s18] =	ssyncset.done $0x0  }
0xd0: {  	s30 =	rddreg [dreg:$0x7];
	[sflag:s18] =	ssyncadd.s32 $0xFFFF2000  }
0xd1: {  	[tilespmem:s3], [sflag:$0x1] =	stream.linear.gather [hbm4b:s30+s3], $0x38, $0x38;
	[tilespmem:$0x1E180] =	vst v63  }
0xd2: {  	s11 =	simm.s32 $0x180;
	s9 =	rddreg [dreg:$0x1b]  }
0xd3: {  	[hbm4b:s9+s3] =	stream.linear.scatter [tilespmem:s11], [sflag:$0x6], $0xE000, $0x38;
	[tilespmem:$0x1E180] =	vst v63  }
0xd4: {  	_ =	swait.ge [sflag:s19], $0xE000  }
0xd5: {  	[sflag:s19] =	ssyncset.done $0x0  }
0xd6: {  	[sflag:s19] =	ssyncadd.s32 $0xFFFF2000  }
0xd7: {  	_ =	swait.ge [sflag:s10], $0x38  }
0xd8: {  	[sflag:s10] =	ssyncset.done $0x0  }
0xd9: {  	[sflag:s10] =	ssyncadd.s32 $0xFFFFFFC8  }
0xda: {  	v3 =	vld [tilespmem:$0x0];
	_ =	sdelay $0x4  }
0xdb: {  	v35 =	vshll.u32 v3, $0x3  }
0xdc: {  	v3 =	vand.u32 $0x7, v3;
	v4 =	vand.u32 $0xFFFFFFC0, v35  }
0xdd: {  	v3 =	vor.u32 v3, v4  }
0xde: {  	v4 =	vperm.xlane v3, v0;
	_ =	sdelay $0x1  }
0xdf: {  	v4 =	vadd.s32 v1, v4;
	_ =	sdelay $0x4  }
0xe0: {  	[tilespmem:s11], [sflag:$0x4] =	stream.indirect_vreg.gather [hbm4b:s2+s3], $0x80, v4, vm0, $0xb8;
	[tilespmem:$0x1E180] =	vst v63  }
0xe1: {  	s1 =	simm.s32 $0x980;
	v3 =	vperm.xlane v3, v2  }
0xe2: {  	[tilespmem:s1], [sflag:$0x4] =	stream.indirect_vreg.gather [hbm4b:s5+s3], $0x80, v4, vm0, $0xb8;
	[tilespmem:$0x1E180] =	vst v63  }
0xe3: {  	s4 =	simm.s32 $0x1180;
	v3 =	vadd.s32 v1, v3  }
0xe4: {  	[tilespmem:s4], [sflag:$0x4] =	stream.indirect_vreg.gather [hbm4b:s6+s3], $0x80, v4, vm0, $0xb8;
	[tilespmem:$0x1E180] =	vst v63  }
0xe5: {  	s4 =	simm.s32 $0x1980  }
0xe6: {  	[tilespmem:s4], [sflag:$0x4] =	stream.indirect_vreg.gather [hbm4b:s7+s3], $0x80, v4, vm0, $0xb8;
	[tilespmem:$0x1E180] =	vst v63  }
0xe7: {  	s15 =	simm.s32 $0x2180  }
0xe8: {  	[tilespmem:s15], [sflag:$0x4] =	stream.indirect_vreg.gather [hbm4b:s2+s3], $0x80, v3, vm0, $0xb8;
	[tilespmem:$0x1E180] =	vst v63  }
0xe9: {  	s17 =	simm.s32 $0x2980  }
0xea: {  	[tilespmem:s17], [sflag:$0x4] =	stream.indirect_vreg.gather [hbm4b:s5+s3], $0x80, v3, vm0, $0xb8;
	[tilespmem:$0x1E180] =	vst v63  }
0xeb: {  	s9 =	simm.s32 $0x3180  }
0xec: {  	[tilespmem:s9], [sflag:$0x4] =	stream.indirect_vreg.gather [hbm4b:s6+s3], $0x80, v3, vm0, $0xb8;
	[tilespmem:$0x1E180] =	vst v63  }
0xed: {  	s12 =	simm.s32 $0x3980  }
0xee: {  	[tilespmem:s12], [sflag:$0x4] =	stream.indirect_vreg.gather [hbm4b:s7+s3], $0x80, v3, vm0, $0xb8;
	[tilespmem:$0x1E180] =	vst v63  }
0xef: {  	v3 =	vld [tilespmem:$0x10];
	_ =	sdelay $0x4  }
0xf0: {  	v36 =	vshll.u32 v3, $0x3  }
0xf1: {  	v3 =	vand.u32 $0x7, v3;
	v4 =	vand.u32 $0xFFFFFFC0, v36  }
0xf2: {  	v3 =	vor.u32 v3, v4  }
0xf3: {  	v4 =	vperm.xlane v3, v0;
	_ =	sdelay $0x1  }
0xf4: {  	v4 =	vadd.s32 v1, v4;
	_ =	sdelay $0x3  }
0xf5: {  	s13 =	simm.s32 $0x4180  }
0xf6: {  	[tilespmem:s13], [sflag:$0x4] =	stream.indirect_vreg.gather [hbm4b:s2+s3], $0x80, v4, vm0, $0xb8;
	[tilespmem:$0x1E180] =	vst v63  }
0xf7: {  	s14 =	simm.s32 $0x4980;
	v3 =	vperm.xlane v3, v2  }
0xf8: {  	[tilespmem:s14], [sflag:$0x4] =	stream.indirect_vreg.gather [hbm4b:s5+s3], $0x80, v4, vm0, $0xb8;
	[tilespmem:$0x1E180] =	vst v63  }
0xf9: {  	s12 =	simm.s32 $0x5180;
	v3 =	vadd.s32 v1, v3  }
0xfa: {  	[tilespmem:s12], [sflag:$0x4] =	stream.indirect_vreg.gather [hbm4b:s6+s3], $0x80, v4, vm0, $0xb8;
	[tilespmem:$0x1E180] =	vst v63  }
0xfb: {  	s13 =	simm.s32 $0x5980  }
0xfc: {  	[tilespmem:s13], [sflag:$0x4] =	stream.indirect_vreg.gather [hbm4b:s7+s3], $0x80, v4, vm0, $0xb8;
	[tilespmem:$0x1E180] =	vst v63  }
0xfd: {  	s14 =	simm.s32 $0x6180  }
0xfe: {  	[tilespmem:s14], [sflag:$0x4] =	stream.indirect_vreg.gather [hbm4b:s2+s3], $0x80, v3, vm0, $0xb8;
	[tilespmem:$0x1E180] =	vst v63  }
0xff: {  	s15 =	simm.s32 $0x6980  }
0x100: {  	[tilespmem:s15], [sflag:$0x4] =	stream.indirect_vreg.gather [hbm4b:s5+s3], $0x80, v3, vm0, $0xb8;
	[tilespmem:$0x1E180] =	vst v63  }
0x101: {  	s17 =	simm.s32 $0x7180  }
0x102: {  	[tilespmem:s17], [sflag:$0x4] =	stream.indirect_vreg.gather [hbm4b:s6+s3], $0x80, v3, vm0, $0xb8;
	[tilespmem:$0x1E180] =	vst v63  }
0x103: {  	s25 =	simm.s32 $0x7980  }
0x104: {  	[tilespmem:s25], [sflag:$0x4] =	stream.indirect_vreg.gather [hbm4b:s7+s3], $0x80, v3, vm0, $0xb8;
	[tilespmem:$0x1E180] =	vst v63  }
0x105: {  	v3 =	vld [tilespmem:$0x20];
	_ =	sdelay $0x4  }
0x106: {  	v37 =	vshll.u32 v3, $0x3  }
0x107: {  	v3 =	vand.u32 $0x7, v3;
	v4 =	vand.u32 $0xFFFFFFC0, v37  }
0x108: {  	v3 =	vor.u32 v3, v4  }
0x109: {  	v4 =	vperm.xlane v3, v0;
	_ =	sdelay $0x1  }
0x10a: {  	v4 =	vadd.s32 v1, v4;
	_ =	sdelay $0x3  }
0x10b: {  	s26 =	simm.s32 $0x8180  }
0x10c: {  	[tilespmem:s26], [sflag:$0x4] =	stream.indirect_vreg.gather [hbm4b:s2+s3], $0x80, v4, vm0, $0xb8;
	[tilespmem:$0x1E180] =	vst v63  }
0x10d: {  	s28 =	simm.s32 $0x8980;
	v3 =	vperm.xlane v3, v2  }
0x10e: {  	[tilespmem:s28], [sflag:$0x4] =	stream.indirect_vreg.gather [hbm4b:s5+s3], $0x80, v4, vm0, $0xb8;
	[tilespmem:$0x1E180] =	vst v63  }
0x10f: {  	s25 =	simm.s32 $0x9180;
	v3 =	vadd.s32 v1, v3  }
0x110: {  	[tilespmem:s25], [sflag:$0x4] =	stream.indirect_vreg.gather [hbm4b:s6+s3], $0x80, v4, vm0, $0xb8;
	[tilespmem:$0x1E180] =	vst v63  }
0x111: {  	s26 =	simm.s32 $0x9980  }
0x112: {  	[tilespmem:s26], [sflag:$0x4] =	stream.indirect_vreg.gather [hbm4b:s7+s3], $0x80, v4, vm0, $0xb8;
	[tilespmem:$0x1E180] =	vst v63  }
0x113: {  	s28 =	simm.s32 $0xA180  }
0x114: {  	[tilespmem:s28], [sflag:$0x4] =	stream.indirect_vreg.gather [hbm4b:s2+s3], $0x80, v3, vm0, $0xb8;
	[tilespmem:$0x1E180] =	vst v63  }
0x115: {  	s29 =	simm.s32 $0xA980  }
0x116: {  	[tilespmem:s29], [sflag:$0x4] =	stream.indirect_vreg.gather [hbm4b:s5+s3], $0x80, v3, vm0, $0xb8;
	[tilespmem:$0x1E180] =	vst v63  }
0x117: {  	s30 =	simm.s32 $0xB180  }
0x118: {  	[tilespmem:s30], [sflag:$0x4] =	stream.indirect_vreg.gather [hbm4b:s6+s3], $0x80, v3, vm0, $0xb8;
	[tilespmem:$0x1E180] =	vst v63  }
0x119: {  	s31 =	simm.s32 $0xB980  }
0x11a: {  	[tilespmem:s31], [sflag:$0x4] =	stream.indirect_vreg.gather [hbm4b:s7+s3], $0x80, v3, vm0, $0xb8;
	[tilespmem:$0x1E180] =	vst v63  }
0x11b: {  	v3 =	vld.msk [tilespmem:$0x30], $0xff;
	_ =	sdelay $0x4  }
0x11c: {  	v38 =	vshll.u32 v3, $0x3  }
0x11d: {  	v3 =	vand.u32 $0x7, v3;
	v4 =	vand.u32 $0xFFFFFFC0, v38  }
0x11e: {  	v3 =	vor.u32 v3, v4  }
0x11f: {  	v3 =	vperm.xlane v3, v0;
	_ =	sdelay $0x1  }
0x120: {  	v3 =	vadd.s32 v1, v3;
	_ =	sdelay $0x3  }
0x121: {  	s31 =	simm.s32 $0xC180  }
0x122: {  	[tilespmem:s31], [sflag:$0x4] =	stream.indirect_vreg.gather [hbm4b:s2+s3], $0x80, v3, vm0, $0xb8;
	[tilespmem:$0x1E180] =	vst v63  }
0x123: {  	s16 =	simm.s32 $0xC980  }
0x124: {  	[tilespmem:s16], [sflag:$0x4] =	stream.indirect_vreg.gather [hbm4b:s5+s3], $0x80, v3, vm0, $0xb8;
	[tilespmem:$0x1E180] =	vst v63  }
0x125: {  	s22 =	simm.s32 $0xD180  }
0x126: {  	[tilespmem:s22], [sflag:$0x4] =	stream.indirect_vreg.gather [hbm4b:s6+s3], $0x80, v3, vm0, $0xb8;
	[tilespmem:$0x1E180] =	vst v63  }
0x127: {  	s23 =	simm.s32 $0xD980  }
0x128: {  	[tilespmem:s23], [sflag:$0x4] =	stream.indirect_vreg.gather [hbm4b:s7+s3], $0x80, v3, vm0, $0xb8;
	[tilespmem:$0x1E180] =	vst v63  }
0x129: {  	_ =	swait.ge [sflag:s20], $0xE000  }
0x12a: {  	[sflag:s20] =	ssyncset.done $0x0  }
0x12b: {  	s16 =	simm.s32 $0x80;
	s1 =	rddreg [dreg:$0x8];
	[sflag:s20] =	ssyncadd.s32 $0xFFFF2000  }
0x12c: {  	[tilespmem:s16], [sflag:$0x2] =	stream.linear.gather [hbm4b:s1+s3], $0x38, $0x38;
	[tilespmem:$0x1E180] =	vst v63  }
0x12d: {  	s22 =	simm.s32 $0xE180;
	s11 =	rddreg [dreg:$0x9]  }
0x12e: {  	[hbm4b:s11+s3] =	stream.linear.scatter [tilespmem:s22], [sflag:$0x7], $0xE000, $0x38;
	[tilespmem:$0x1E180] =	vst v63  }
0x12f: {  	_ =	swait.ge [sflag:s21], $0xE000  }
0x130: {  	[sflag:s21] =	ssyncset.done $0x0  }
0x131: {  	[sflag:s21] =	ssyncadd.s32 $0xFFFF2000  }
0x132: {  	_ =	swait.ge [sflag:s0], $0x38  }
0x133: {  	[sflag:s0] =	ssyncset.done $0x0  }
0x134: {  	[sflag:s0] =	ssyncadd.s32 $0xFFFFFFC8  }
0x135: {  	v3 =	vld [tilespmem:$0x80];
	_ =	sdelay $0x4  }
0x136: {  	v39 =	vshll.u32 v3, $0x3  }
0x137: {  	v3 =	vand.u32 $0x7, v3;
	v4 =	vand.u32 $0xFFFFFFC0, v39  }
0x138: {  	v3 =	vor.u32 v3, v4  }
0x139: {  	v4 =	vperm.xlane v3, v0;
	_ =	sdelay $0x1  }
0x13a: {  	v4 =	vadd.s32 v1, v4;
	_ =	sdelay $0x4  }
0x13b: {  	[tilespmem:s22], [sflag:$0x5] =	stream.indirect_vreg.gather [hbm4b:s2+s3], $0x80, v4, vm0, $0xb8;
	[tilespmem:$0x1E180] =	vst v63  }
0x13c: {  	s24 =	simm.s32 $0xE980;
	v3 =	vperm.xlane v3, v2  }
0x13d: {  	[tilespmem:s24], [sflag:$0x5] =	stream.indirect_vreg.gather [hbm4b:s5+s3], $0x80, v4, vm0, $0xb8;
	[tilespmem:$0x1E180] =	vst v63  }
0x13e: {  	v3 =	vadd.s32 v1, v3;
	s24 =	simm.s32 $0xF180  }
0x13f: {  	[tilespmem:s24], [sflag:$0x5] =	stream.indirect_vreg.gather [hbm4b:s6+s3], $0x80, v4, vm0, $0xb8;
	[tilespmem:$0x1E180] =	vst v63  }
0x140: {  	s11 =	simm.s32 $0xF980  }
0x141: {  	[tilespmem:s11], [sflag:$0x5] =	stream.indirect_vreg.gather [hbm4b:s7+s3], $0x80, v4, vm0, $0xb8;
	[tilespmem:$0x1E180] =	vst v63  }
0x142: {  	s23 =	simm.s32 $0x10180  }
0x143: {  	[tilespmem:s23], [sflag:$0x5] =	stream.indirect_vreg.gather [hbm4b:s2+s3], $0x80, v3, vm0, $0xb8;
	[tilespmem:$0x1E180] =	vst v63  }
0x144: {  	s11 =	simm.s32 $0x10980  }
0x145: {  	[tilespmem:s11], [sflag:$0x5] =	stream.indirect_vreg.gather [hbm4b:s5+s3], $0x80, v3, vm0, $0xb8;
	[tilespmem:$0x1E180] =	vst v63  }
0x146: {  	s23 =	simm.s32 $0x11180  }
0x147: {  	[tilespmem:s23], [sflag:$0x5] =	stream.indirect_vreg.gather [hbm4b:s6+s3], $0x80, v3, vm0, $0xb8;
	[tilespmem:$0x1E180] =	vst v63  }
0x148: {  	s11 =	simm.s32 $0x11980  }
0x149: {  	[tilespmem:s11], [sflag:$0x5] =	stream.indirect_vreg.gather [hbm4b:s7+s3], $0x80, v3, vm0, $0xb8;
	[tilespmem:$0x1E180] =	vst v63  }
0x14a: {  	v3 =	vld [tilespmem:$0x90];
	_ =	sdelay $0x4  }
0x14b: {  	v40 =	vshll.u32 v3, $0x3  }
0x14c: {  	v3 =	vand.u32 $0x7, v3;
	v4 =	vand.u32 $0xFFFFFFC0, v40  }
0x14d: {  	v3 =	vor.u32 v3, v4  }
0x14e: {  	v4 =	vperm.xlane v3, v0;
	_ =	sdelay $0x1  }
0x14f: {  	v4 =	vadd.s32 v1, v4;
	_ =	sdelay $0x3  }
0x150: {  	s23 =	simm.s32 $0x12180  }
0x151: {  	[tilespmem:s23], [sflag:$0x5] =	stream.indirect_vreg.gather [hbm4b:s2+s3], $0x80, v4, vm0, $0xb8;
	[tilespmem:$0x1E180] =	vst v63  }
0x152: {  	s11 =	simm.s32 $0x12980;
	v3 =	vperm.xlane v3, v2  }
0x153: {  	[tilespmem:s11], [sflag:$0x5] =	stream.indirect_vreg.gather [hbm4b:s5+s3], $0x80, v4, vm0, $0xb8;
	[tilespmem:$0x1E180] =	vst v63  }
0x154: {  	s22 =	simm.s32 $0x13180;
	v3 =	vadd.s32 v1, v3  }
0x155: {  	[tilespmem:s22], [sflag:$0x5] =	stream.indirect_vreg.gather [hbm4b:s6+s3], $0x80, v4, vm0, $0xb8;
	[tilespmem:$0x1E180] =	vst v63  }
0x156: {  	s23 =	simm.s32 $0x13980  }
0x157: {  	[tilespmem:s23], [sflag:$0x5] =	stream.indirect_vreg.gather [hbm4b:s7+s3], $0x80, v4, vm0, $0xb8;
	[tilespmem:$0x1E180] =	vst v63  }
0x158: {  	s11 =	simm.s32 $0x14180  }
0x159: {  	[tilespmem:s11], [sflag:$0x5] =	stream.indirect_vreg.gather [hbm4b:s2+s3], $0x80, v3, vm0, $0xb8;
	[tilespmem:$0x1E180] =	vst v63  }
0x15a: {  	s22 =	simm.s32 $0x14980  }
0x15b: {  	[tilespmem:s22], [sflag:$0x5] =	stream.indirect_vreg.gather [hbm4b:s5+s3], $0x80, v3, vm0, $0xb8;
	[tilespmem:$0x1E180] =	vst v63  }
0x15c: {  	s23 =	simm.s32 $0x15180  }
0x15d: {  	[tilespmem:s23], [sflag:$0x5] =	stream.indirect_vreg.gather [hbm4b:s6+s3], $0x80, v3, vm0, $0xb8;
	[tilespmem:$0x1E180] =	vst v63  }
0x15e: {  	s11 =	simm.s32 $0x15980  }
0x15f: {  	[tilespmem:s11], [sflag:$0x5] =	stream.indirect_vreg.gather [hbm4b:s7+s3], $0x80, v3, vm0, $0xb8;
	[tilespmem:$0x1E180] =	vst v63  }
0x160: {  	v3 =	vld [tilespmem:$0xA0];
	_ =	sdelay $0x4  }
0x161: {  	v41 =	vshll.u32 v3, $0x3  }
0x162: {  	v3 =	vand.u32 $0x7, v3;
	v4 =	vand.u32 $0xFFFFFFC0, v41  }
0x163: {  	v3 =	vor.u32 v3, v4  }
0x164: {  	v4 =	vperm.xlane v3, v0;
	_ =	sdelay $0x1  }
0x165: {  	v4 =	vadd.s32 v1, v4;
	_ =	sdelay $0x3  }
0x166: {  	s23 =	simm.s32 $0x16180  }
0x167: {  	[tilespmem:s23], [sflag:$0x5] =	stream.indirect_vreg.gather [hbm4b:s2+s3], $0x80, v4, vm0, $0xb8;
	[tilespmem:$0x1E180] =	vst v63  }
0x168: {  	s11 =	simm.s32 $0x16980;
	v3 =	vperm.xlane v3, v2  }
0x169: {  	[tilespmem:s11], [sflag:$0x5] =	stream.indirect_vreg.gather [hbm4b:s5+s3], $0x80, v4, vm0, $0xb8;
	[tilespmem:$0x1E180] =	vst v63  }
0x16a: {  	v3 =	vadd.s32 v1, v3;
	s23 =	simm.s32 $0x17180  }
0x16b: {  	[tilespmem:s23], [sflag:$0x5] =	stream.indirect_vreg.gather [hbm4b:s6+s3], $0x80, v4, vm0, $0xb8;
	[tilespmem:$0x1E180] =	vst v63  }
0x16c: {  	s22 =	simm.s32 $0x17980  }
0x16d: {  	[tilespmem:s22], [sflag:$0x5] =	stream.indirect_vreg.gather [hbm4b:s7+s3], $0x80, v4, vm0, $0xb8;
	[tilespmem:$0x1E180] =	vst v63  }
0x16e: {  	s23 =	simm.s32 $0x18180  }
0x16f: {  	[tilespmem:s23], [sflag:$0x5] =	stream.indirect_vreg.gather [hbm4b:s2+s3], $0x80, v3, vm0, $0xb8;
	[tilespmem:$0x1E180] =	vst v63  }
0x170: {  	s11 =	simm.s32 $0x18980  }
0x171: {  	[tilespmem:s11], [sflag:$0x5] =	stream.indirect_vreg.gather [hbm4b:s5+s3], $0x80, v3, vm0, $0xb8;
	[tilespmem:$0x1E180] =	vst v63  }
0x172: {  	s23 =	simm.s32 $0x19180  }
0x173: {  	[tilespmem:s23], [sflag:$0x5] =	stream.indirect_vreg.gather [hbm4b:s6+s3], $0x80, v3, vm0, $0xb8;
	[tilespmem:$0x1E180] =	vst v63  }
0x174: {  	s11 =	simm.s32 $0x19980  }
0x175: {  	[tilespmem:s11], [sflag:$0x5] =	stream.indirect_vreg.gather [hbm4b:s7+s3], $0x80, v3, vm0, $0xb8;
	[tilespmem:$0x1E180] =	vst v63  }
0x176: {  	v3 =	vld.msk [tilespmem:$0xB0], $0xff;
	_ =	sdelay $0x4  }
0x177: {  	v42 =	vshll.u32 v3, $0x3  }
0x178: {  	v3 =	vand.u32 $0x7, v3;
	v4 =	vand.u32 $0xFFFFFFC0, v42  }
0x179: {  	v3 =	vor.u32 v3, v4  }
0x17a: {  	v3 =	vperm.xlane v3, v0;
	_ =	sdelay $0x1  }
0x17b: {  	v3 =	vadd.s32 v1, v3;
	_ =	sdelay $0x3  }
0x17c: {  	s23 =	simm.s32 $0x1A180  }
0x17d: {  	[tilespmem:s23], [sflag:$0x5] =	stream.indirect_vreg.gather [hbm4b:s2+s3], $0x80, v3, vm0, $0xb8;
	[tilespmem:$0x1E180] =	vst v63  }
0x17e: {  	s11 =	simm.s32 $0x1A980  }
0x17f: {  	[tilespmem:s11], [sflag:$0x5] =	stream.indirect_vreg.gather [hbm4b:s5+s3], $0x80, v3, vm0, $0xb8;
	[tilespmem:$0x1E180] =	vst v63  }
0x180: {  	s23 =	simm.s32 $0x1B180  }
0x181: {  	[tilespmem:s23], [sflag:$0x5] =	stream.indirect_vreg.gather [hbm4b:s6+s3], $0x80, v3, vm0, $0xb8;
	[tilespmem:$0x1E180] =	vst v63  }
0x182: {  	s11 =	simm.s32 $0x1B980  }
0x183: {  	[tilespmem:s11], [sflag:$0x5] =	stream.indirect_vreg.gather [hbm4b:s7+s3], $0x80, v3, vm0, $0xb8;
	[tilespmem:$0x1E180] =	vst v63  }
0x184: {  	_ =	swait.ge [sflag:s18], $0xE000  }
0x185: {  	[sflag:s18] =	ssyncset.done $0x0  }
0x186: {  	s23 =	rddreg [dreg:$0xa];
	[sflag:s18] =	ssyncadd.s32 $0xFFFF2000  }
0x187: {  	[tilespmem:s3], [sflag:$0x1] =	stream.linear.gather [hbm4b:s23+s3], $0x38, $0x38;
	[tilespmem:$0x1E180] =	vst v63  }
0x188: {  	s22 =	simm.s32 $0x180;
	s11 =	rddreg [dreg:$0xb]  }
0x189: {  	[hbm4b:s11+s3] =	stream.linear.scatter [tilespmem:s22], [sflag:$0x6], $0xE000, $0x38;
	[tilespmem:$0x1E180] =	vst v63  }
0x18a: {  	_ =	swait.ge [sflag:s19], $0xE000  }
0x18b: {  	[sflag:s19] =	ssyncset.done $0x0  }
0x18c: {  	[sflag:s19] =	ssyncadd.s32 $0xFFFF2000  }
0x18d: {  	_ =	swait.ge [sflag:s10], $0x38  }
0x18e: {  	[sflag:s10] =	ssyncset.done $0x0  }
0x18f: {  	[sflag:s10] =	ssyncadd.s32 $0xFFFFFFC8  }
0x190: {  	v3 =	vld [tilespmem:$0x0];
	_ =	sdelay $0x4  }
0x191: {  	v43 =	vshll.u32 v3, $0x3  }
0x192: {  	v3 =	vand.u32 $0x7, v3;
	v4 =	vand.u32 $0xFFFFFFC0, v43  }
0x193: {  	v3 =	vor.u32 v3, v4  }
0x194: {  	v4 =	vperm.xlane v3, v0;
	_ =	sdelay $0x1  }
0x195: {  	v4 =	vadd.s32 v1, v4;
	_ =	sdelay $0x4  }
0x196: {  	[tilespmem:s22], [sflag:$0x4] =	stream.indirect_vreg.gather [hbm4b:s2+s3], $0x80, v4, vm0, $0xb8;
	[tilespmem:$0x1E180] =	vst v63  }
0x197: {  	s23 =	simm.s32 $0x980;
	v3 =	vperm.xlane v3, v2  }
0x198: {  	[tilespmem:s23], [sflag:$0x4] =	stream.indirect_vreg.gather [hbm4b:s5+s3], $0x80, v4, vm0, $0xb8;
	[tilespmem:$0x1E180] =	vst v63  }
0x199: {  	v3 =	vadd.s32 v1, v3;
	s23 =	simm.s32 $0x1180  }
0x19a: {  	[tilespmem:s23], [sflag:$0x4] =	stream.indirect_vreg.gather [hbm4b:s6+s3], $0x80, v4, vm0, $0xb8;
	[tilespmem:$0x1E180] =	vst v63  }
0x19b: {  	_ = 	snop  }
0x19c: {  	[tilespmem:s4], [sflag:$0x4] =	stream.indirect_vreg.gather [hbm4b:s7+s3], $0x80, v4, vm0, $0xb8;
	[tilespmem:$0x1E180] =	vst v63  }
0x19d: {  	s22 =	simm.s32 $0x2180  }
0x19e: {  	[tilespmem:s22], [sflag:$0x4] =	stream.indirect_vreg.gather [hbm4b:s2+s3], $0x80, v3, vm0, $0xb8;
	[tilespmem:$0x1E180] =	vst v63  }
0x19f: {  	s23 =	simm.s32 $0x2980  }
0x1a0: {  	[tilespmem:s23], [sflag:$0x4] =	stream.indirect_vreg.gather [hbm4b:s5+s3], $0x80, v3, vm0, $0xb8;
	[tilespmem:$0x1E180] =	vst v63  }
0x1a1: {  	_ = 	snop  }
0x1a2: {  	[tilespmem:s9], [sflag:$0x4] =	stream.indirect_vreg.gather [hbm4b:s6+s3], $0x80, v3, vm0, $0xb8;
	[tilespmem:$0x1E180] =	vst v63  }
0x1a3: {  	s22 =	simm.s32 $0x3980  }
0x1a4: {  	[tilespmem:s22], [sflag:$0x4] =	stream.indirect_vreg.gather [hbm4b:s7+s3], $0x80, v3, vm0, $0xb8;
	[tilespmem:$0x1E180] =	vst v63  }
0x1a5: {  	v3 =	vld [tilespmem:$0x10];
	_ =	sdelay $0x4  }
0x1a6: {  	v44 =	vshll.u32 v3, $0x3  }
0x1a7: {  	v3 =	vand.u32 $0x7, v3;
	v4 =	vand.u32 $0xFFFFFFC0, v44  }
0x1a8: {  	v3 =	vor.u32 v3, v4  }
0x1a9: {  	v4 =	vperm.xlane v3, v0;
	_ =	sdelay $0x1  }
0x1aa: {  	v4 =	vadd.s32 v1, v4;
	_ =	sdelay $0x3  }
0x1ab: {  	s23 =	simm.s32 $0x4180  }
0x1ac: {  	[tilespmem:s23], [sflag:$0x4] =	stream.indirect_vreg.gather [hbm4b:s2+s3], $0x80, v4, vm0, $0xb8;
	[tilespmem:$0x1E180] =	vst v63  }
0x1ad: {  	s9 =	simm.s32 $0x4980;
	v3 =	vperm.xlane v3, v2  }
0x1ae: {  	[tilespmem:s9], [sflag:$0x4] =	stream.indirect_vreg.gather [hbm4b:s5+s3], $0x80, v4, vm0, $0xb8;
	[tilespmem:$0x1E180] =	vst v63  }
0x1af: {  	v3 =	vadd.s32 v1, v3  }
0x1b0: {  	[tilespmem:s12], [sflag:$0x4] =	stream.indirect_vreg.gather [hbm4b:s6+s3], $0x80, v4, vm0, $0xb8;
	[tilespmem:$0x1E180] =	vst v63  }
0x1b1: {  	_ = 	snop  }
0x1b2: {  	[tilespmem:s13], [sflag:$0x4] =	stream.indirect_vreg.gather [hbm4b:s7+s3], $0x80, v4, vm0, $0xb8;
	[tilespmem:$0x1E180] =	vst v63  }
0x1b3: {  	_ = 	snop  }
0x1b4: {  	[tilespmem:s14], [sflag:$0x4] =	stream.indirect_vreg.gather [hbm4b:s2+s3], $0x80, v3, vm0, $0xb8;
	[tilespmem:$0x1E180] =	vst v63  }
0x1b5: {  	_ = 	snop  }
0x1b6: {  	[tilespmem:s15], [sflag:$0x4] =	stream.indirect_vreg.gather [hbm4b:s5+s3], $0x80, v3, vm0, $0xb8;
	[tilespmem:$0x1E180] =	vst v63  }
0x1b7: {  	_ = 	snop  }
0x1b8: {  	[tilespmem:s17], [sflag:$0x4] =	stream.indirect_vreg.gather [hbm4b:s6+s3], $0x80, v3, vm0, $0xb8;
	[tilespmem:$0x1E180] =	vst v63  }
0x1b9: {  	s17 =	simm.s32 $0x7980  }
0x1ba: {  	[tilespmem:s17], [sflag:$0x4] =	stream.indirect_vreg.gather [hbm4b:s7+s3], $0x80, v3, vm0, $0xb8;
	[tilespmem:$0x1E180] =	vst v63  }
0x1bb: {  	v3 =	vld [tilespmem:$0x20];
	_ =	sdelay $0x4  }
0x1bc: {  	v45 =	vshll.u32 v3, $0x3  }
0x1bd: {  	v3 =	vand.u32 $0x7, v3;
	v4 =	vand.u32 $0xFFFFFFC0, v45  }
0x1be: {  	v3 =	vor.u32 v3, v4  }
0x1bf: {  	v4 =	vperm.xlane v3, v0;
	_ =	sdelay $0x1  }
0x1c0: {  	v4 =	vadd.s32 v1, v4;
	_ =	sdelay $0x3  }
0x1c1: {  	s22 =	simm.s32 $0x8180  }
0x1c2: {  	[tilespmem:s22], [sflag:$0x4] =	stream.indirect_vreg.gather [hbm4b:s2+s3], $0x80, v4, vm0, $0xb8;
	[tilespmem:$0x1E180] =	vst v63  }
0x1c3: {  	s23 =	simm.s32 $0x8980;
	v3 =	vperm.xlane v3, v2  }
0x1c4: {  	[tilespmem:s23], [sflag:$0x4] =	stream.indirect_vreg.gather [hbm4b:s5+s3], $0x80, v4, vm0, $0xb8;
	[tilespmem:$0x1E180] =	vst v63  }
0x1c5: {  	v3 =	vadd.s32 v1, v3  }
0x1c6: {  	[tilespmem:s25], [sflag:$0x4] =	stream.indirect_vreg.gather [hbm4b:s6+s3], $0x80, v4, vm0, $0xb8;
	[tilespmem:$0x1E180] =	vst v63  }
0x1c7: {  	_ = 	snop  }
0x1c8: {  	[tilespmem:s26], [sflag:$0x4] =	stream.indirect_vreg.gather [hbm4b:s7+s3], $0x80, v4, vm0, $0xb8;
	[tilespmem:$0x1E180] =	vst v63  }
0x1c9: {  	_ = 	snop  }
0x1ca: {  	[tilespmem:s28], [sflag:$0x4] =	stream.indirect_vreg.gather [hbm4b:s2+s3], $0x80, v3, vm0, $0xb8;
	[tilespmem:$0x1E180] =	vst v63  }
0x1cb: {  	_ = 	snop  }
0x1cc: {  	[tilespmem:s29], [sflag:$0x4] =	stream.indirect_vreg.gather [hbm4b:s5+s3], $0x80, v3, vm0, $0xb8;
	[tilespmem:$0x1E180] =	vst v63  }
0x1cd: {  	_ = 	snop  }
0x1ce: {  	[tilespmem:s30], [sflag:$0x4] =	stream.indirect_vreg.gather [hbm4b:s6+s3], $0x80, v3, vm0, $0xb8;
	[tilespmem:$0x1E180] =	vst v63  }
0x1cf: {  	s25 =	simm.s32 $0xB980  }
0x1d0: {  	[tilespmem:s25], [sflag:$0x4] =	stream.indirect_vreg.gather [hbm4b:s7+s3], $0x80, v3, vm0, $0xb8;
	[tilespmem:$0x1E180] =	vst v63  }
0x1d1: {  	v3 =	vld.msk [tilespmem:$0x30], $0xff;
	_ =	sdelay $0x4  }
0x1d2: {  	v46 =	vshll.u32 v3, $0x3  }
0x1d3: {  	v3 =	vand.u32 $0x7, v3;
	v4 =	vand.u32 $0xFFFFFFC0, v46  }
0x1d4: {  	v3 =	vor.u32 v3, v4  }
0x1d5: {  	v3 =	vperm.xlane v3, v0;
	_ =	sdelay $0x1  }
0x1d6: {  	v3 =	vadd.s32 v1, v3;
	_ =	sdelay $0x4  }
0x1d7: {  	[tilespmem:s31], [sflag:$0x4] =	stream.indirect_vreg.gather [hbm4b:s2+s3], $0x80, v3, vm0, $0xb8;
	[tilespmem:$0x1E180] =	vst v63  }
0x1d8: {  	s26 =	simm.s32 $0xC980  }
0x1d9: {  	[tilespmem:s26], [sflag:$0x4] =	stream.indirect_vreg.gather [hbm4b:s5+s3], $0x80, v3, vm0, $0xb8;
	[tilespmem:$0x1E180] =	vst v63  }
0x1da: {  	s28 =	simm.s32 $0xD180  }
0x1db: {  	[tilespmem:s28], [sflag:$0x4] =	stream.indirect_vreg.gather [hbm4b:s6+s3], $0x80, v3, vm0, $0xb8;
	[tilespmem:$0x1E180] =	vst v63  }
0x1dc: {  	s29 =	simm.s32 $0xD980  }
0x1dd: {  	[tilespmem:s29], [sflag:$0x4] =	stream.indirect_vreg.gather [hbm4b:s7+s3], $0x80, v3, vm0, $0xb8;
	[tilespmem:$0x1E180] =	vst v63  }
0x1de: {  	_ =	swait.ge [sflag:s20], $0xE000  }
0x1df: {  	[sflag:s20] =	ssyncset.done $0x0  }
0x1e0: {  	s30 =	rddreg [dreg:$0xc];
	[sflag:s20] =	ssyncadd.s32 $0xFFFF2000  }
0x1e1: {  	[tilespmem:s16], [sflag:$0x2] =	stream.linear.gather [hbm4b:s30+s3], $0x38, $0x38;
	[tilespmem:$0x1E180] =	vst v63  }
0x1e2: {  	s1 =	simm.s32 $0xE180;
	s31 =	rddreg [dreg:$0xd]  }
0x1e3: {  	[hbm4b:s31+s3] =	stream.linear.scatter [tilespmem:s1], [sflag:$0x7], $0xE000, $0x38;
	[tilespmem:$0x1E180] =	vst v63  }
0x1e4: {  	_ =	swait.ge [sflag:s21], $0xE000  }
0x1e5: {  	[sflag:s21] =	ssyncset.done $0x0  }
0x1e6: {  	[sflag:s21] =	ssyncadd.s32 $0xFFFF2000  }
0x1e7: {  	_ =	swait.ge [sflag:s0], $0x38  }
0x1e8: {  	[sflag:s0] =	ssyncset.done $0x0  }
0x1e9: {  	[sflag:s0] =	ssyncadd.s32 $0xFFFFFFC8  }
0x1ea: {  	v3 =	vld [tilespmem:$0x80];
	_ =	sdelay $0x4  }
0x1eb: {  	v47 =	vshll.u32 v3, $0x3  }
0x1ec: {  	v3 =	vand.u32 $0x7, v3;
	v4 =	vand.u32 $0xFFFFFFC0, v47  }
0x1ed: {  	v3 =	vor.u32 v3, v4  }
0x1ee: {  	v4 =	vperm.xlane v3, v0;
	_ =	sdelay $0x1  }
0x1ef: {  	v4 =	vadd.s32 v1, v4;
	_ =	sdelay $0x4  }
0x1f0: {  	[tilespmem:s1], [sflag:$0x5] =	stream.indirect_vreg.gather [hbm4b:s2+s3], $0x80, v4, vm0, $0xb8;
	[tilespmem:$0x1E180] =	vst v63  }
0x1f1: {  	s4 =	simm.s32 $0xE980;
	v3 =	vperm.xlane v3, v2  }
0x1f2: {  	[tilespmem:s4], [sflag:$0x5] =	stream.indirect_vreg.gather [hbm4b:s5+s3], $0x80, v4, vm0, $0xb8;
	[tilespmem:$0x1E180] =	vst v63  }
0x1f3: {  	v3 =	vadd.s32 v1, v3  }
0x1f4: {  	[tilespmem:s24], [sflag:$0x5] =	stream.indirect_vreg.gather [hbm4b:s6+s3], $0x80, v4, vm0, $0xb8;
	[tilespmem:$0x1E180] =	vst v63  }
0x1f5: {  	s9 =	simm.s32 $0xF980  }
0x1f6: {  	[tilespmem:s9], [sflag:$0x5] =	stream.indirect_vreg.gather [hbm4b:s7+s3], $0x80, v4, vm0, $0xb8;
	[tilespmem:$0x1E180] =	vst v63  }
0x1f7: {  	s12 =	simm.s32 $0x10180  }
0x1f8: {  	[tilespmem:s12], [sflag:$0x5] =	stream.indirect_vreg.gather [hbm4b:s2+s3], $0x80, v3, vm0, $0xb8;
	[tilespmem:$0x1E180] =	vst v63  }
0x1f9: {  	s13 =	simm.s32 $0x10980  }
0x1fa: {  	[tilespmem:s13], [sflag:$0x5] =	stream.indirect_vreg.gather [hbm4b:s5+s3], $0x80, v3, vm0, $0xb8;
	[tilespmem:$0x1E180] =	vst v63  }
0x1fb: {  	s1 =	simm.s32 $0x11180  }
0x1fc: {  	[tilespmem:s1], [sflag:$0x5] =	stream.indirect_vreg.gather [hbm4b:s6+s3], $0x80, v3, vm0, $0xb8;
	[tilespmem:$0x1E180] =	vst v63  }
0x1fd: {  	s14 =	simm.s32 $0x11980  }
0x1fe: {  	[tilespmem:s14], [sflag:$0x5] =	stream.indirect_vreg.gather [hbm4b:s7+s3], $0x80, v3, vm0, $0xb8;
	[tilespmem:$0x1E180] =	vst v63  }
0x1ff: {  	v3 =	vld [tilespmem:$0x90];
	_ =	sdelay $0x4  }
0x200: {  	v48 =	vshll.u32 v3, $0x3  }
0x201: {  	v3 =	vand.u32 $0x7, v3;
	v4 =	vand.u32 $0xFFFFFFC0, v48  }
0x202: {  	v3 =	vor.u32 v3, v4  }
0x203: {  	v4 =	vperm.xlane v3, v0;
	_ =	sdelay $0x1  }
0x204: {  	v4 =	vadd.s32 v1, v4;
	_ =	sdelay $0x3  }
0x205: {  	s15 =	simm.s32 $0x12180  }
0x206: {  	[tilespmem:s15], [sflag:$0x5] =	stream.indirect_vreg.gather [hbm4b:s2+s3], $0x80, v4, vm0, $0xb8;
	[tilespmem:$0x1E180] =	vst v63  }
0x207: {  	s17 =	simm.s32 $0x12980;
	v3 =	vperm.xlane v3, v2  }
0x208: {  	[tilespmem:s17], [sflag:$0x5] =	stream.indirect_vreg.gather [hbm4b:s5+s3], $0x80, v4, vm0, $0xb8;
	[tilespmem:$0x1E180] =	vst v63  }
0x209: {  	v3 =	vadd.s32 v1, v3;
	s15 =	simm.s32 $0x13180  }
0x20a: {  	[tilespmem:s15], [sflag:$0x5] =	stream.indirect_vreg.gather [hbm4b:s6+s3], $0x80, v4, vm0, $0xb8;
	[tilespmem:$0x1E180] =	vst v63  }
0x20b: {  	s17 =	simm.s32 $0x13980  }
0x20c: {  	[tilespmem:s17], [sflag:$0x5] =	stream.indirect_vreg.gather [hbm4b:s7+s3], $0x80, v4, vm0, $0xb8;
	[tilespmem:$0x1E180] =	vst v63  }
0x20d: {  	s22 =	simm.s32 $0x14180  }
0x20e: {  	[tilespmem:s22], [sflag:$0x5] =	stream.indirect_vreg.gather [hbm4b:s2+s3], $0x80, v3, vm0, $0xb8;
	[tilespmem:$0x1E180] =	vst v63  }
0x20f: {  	s4 =	simm.s32 $0x14980  }
0x210: {  	[tilespmem:s4], [sflag:$0x5] =	stream.indirect_vreg.gather [hbm4b:s5+s3], $0x80, v3, vm0, $0xb8;
	[tilespmem:$0x1E180] =	vst v63  }
0x211: {  	s12 =	simm.s32 $0x15180  }
0x212: {  	[tilespmem:s12], [sflag:$0x5] =	stream.indirect_vreg.gather [hbm4b:s6+s3], $0x80, v3, vm0, $0xb8;
	[tilespmem:$0x1E180] =	vst v63  }
0x213: {  	s23 =	simm.s32 $0x15980  }
0x214: {  	[tilespmem:s23], [sflag:$0x5] =	stream.indirect_vreg.gather [hbm4b:s7+s3], $0x80, v3, vm0, $0xb8;
	[tilespmem:$0x1E180] =	vst v63  }
0x215: {  	v3 =	vld [tilespmem:$0xA0];
	_ =	sdelay $0x4  }
0x216: {  	v49 =	vshll.u32 v3, $0x3  }
0x217: {  	v3 =	vand.u32 $0x7, v3;
	v4 =	vand.u32 $0xFFFFFFC0, v49  }
0x218: {  	v3 =	vor.u32 v3, v4  }
0x219: {  	v4 =	vperm.xlane v3, v0;
	_ =	sdelay $0x1  }
0x21a: {  	v4 =	vadd.s32 v1, v4;
	_ =	sdelay $0x3  }
0x21b: {  	s28 =	simm.s32 $0x16180  }
0x21c: {  	[tilespmem:s28], [sflag:$0x5] =	stream.indirect_vreg.gather [hbm4b:s2+s3], $0x80, v4, vm0, $0xb8;
	[tilespmem:$0x1E180] =	vst v63  }
0x21d: {  	s29 =	simm.s32 $0x16980;
	v3 =	vperm.xlane v3, v2  }
0x21e: {  	[tilespmem:s29], [sflag:$0x5] =	stream.indirect_vreg.gather [hbm4b:s5+s3], $0x80, v4, vm0, $0xb8;
	[tilespmem:$0x1E180] =	vst v63  }
0x21f: {  	s13 =	simm.s32 $0x17180;
	v3 =	vadd.s32 v1, v3  }
0x220: {  	[tilespmem:s13], [sflag:$0x5] =	stream.indirect_vreg.gather [hbm4b:s6+s3], $0x80, v4, vm0, $0xb8;
	[tilespmem:$0x1E180] =	vst v63  }
0x221: {  	s14 =	simm.s32 $0x17980  }
0x222: {  	[tilespmem:s14], [sflag:$0x5] =	stream.indirect_vreg.gather [hbm4b:s7+s3], $0x80, v4, vm0, $0xb8;
	[tilespmem:$0x1E180] =	vst v63  }
0x223: {  	s30 =	simm.s32 $0x18180  }
0x224: {  	[tilespmem:s30], [sflag:$0x5] =	stream.indirect_vreg.gather [hbm4b:s2+s3], $0x80, v3, vm0, $0xb8;
	[tilespmem:$0x1E180] =	vst v63  }
0x225: {  	s31 =	simm.s32 $0x18980  }
0x226: {  	[tilespmem:s31], [sflag:$0x5] =	stream.indirect_vreg.gather [hbm4b:s5+s3], $0x80, v3, vm0, $0xb8;
	[tilespmem:$0x1E180] =	vst v63  }
0x227: {  	s9 =	simm.s32 $0x19180  }
0x228: {  	[tilespmem:s9], [sflag:$0x5] =	stream.indirect_vreg.gather [hbm4b:s6+s3], $0x80, v3, vm0, $0xb8;
	[tilespmem:$0x1E180] =	vst v63  }
0x229: {  	s23 =	simm.s32 $0x19980  }
0x22a: {  	[tilespmem:s23], [sflag:$0x5] =	stream.indirect_vreg.gather [hbm4b:s7+s3], $0x80, v3, vm0, $0xb8;
	[tilespmem:$0x1E180] =	vst v63  }
0x22b: {  	v3 =	vld.msk [tilespmem:$0xB0], $0xff;
	_ =	sdelay $0x4  }
0x22c: {  	v50 =	vshll.u32 v3, $0x3  }
0x22d: {  	v3 =	vand.u32 $0x7, v3;
	v4 =	vand.u32 $0xFFFFFFC0, v50  }
0x22e: {  	v3 =	vor.u32 v3, v4  }
0x22f: {  	v3 =	vperm.xlane v3, v0;
	_ =	sdelay $0x1  }
0x230: {  	v3 =	vadd.s32 v1, v3;
	_ =	sdelay $0x3  }
0x231: {  	s31 =	simm.s32 $0x1A180  }
0x232: {  	[tilespmem:s31], [sflag:$0x5] =	stream.indirect_vreg.gather [hbm4b:s2+s3], $0x80, v3, vm0, $0xb8;
	[tilespmem:$0x1E180] =	vst v63  }
0x233: {  	s9 =	simm.s32 $0x1A980  }
0x234: {  	[tilespmem:s9], [sflag:$0x5] =	stream.indirect_vreg.gather [hbm4b:s5+s3], $0x80, v3, vm0, $0xb8;
	[tilespmem:$0x1E180] =	vst v63  }
0x235: {  	s23 =	simm.s32 $0x1B180  }
0x236: {  	[tilespmem:s23], [sflag:$0x5] =	stream.indirect_vreg.gather [hbm4b:s6+s3], $0x80, v3, vm0, $0xb8;
	[tilespmem:$0x1E180] =	vst v63  }
0x237: {  	s9 =	simm.s32 $0x1B980  }
0x238: {  	[tilespmem:s9], [sflag:$0x5] =	stream.indirect_vreg.gather [hbm4b:s7+s3], $0x80, v3, vm0, $0xb8;
	[tilespmem:$0x1E180] =	vst v63  }
0x239: {  	_ =	swait.ge [sflag:s18], $0xE000  }
0x23a: {  	[sflag:s18] =	ssyncset.done $0x0  }
0x23b: {  	s23 =	rddreg [dreg:$0xe];
	[sflag:s18] =	ssyncadd.s32 $0xFFFF2000  }
0x23c: {  	[tilespmem:s3], [sflag:$0x1] =	stream.linear.gather [hbm4b:s23+s3], $0x38, $0x38;
	[tilespmem:$0x1E180] =	vst v63  }
0x23d: {  	s11 =	simm.s32 $0x180;
	s9 =	rddreg [dreg:$0xf]  }
0x23e: {  	[hbm4b:s9+s3] =	stream.linear.scatter [tilespmem:s11], [sflag:$0x6], $0xE000, $0x38;
	[tilespmem:$0x1E180] =	vst v63  }
0x23f: {  	_ =	swait.ge [sflag:s19], $0xE000  }
0x240: {  	[sflag:s19] =	ssyncset.done $0x0  }
0x241: {  	[sflag:s19] =	ssyncadd.s32 $0xFFFF2000  }
0x242: {  	_ =	swait.ge [sflag:s10], $0x38  }
0x243: {  	[sflag:s10] =	ssyncset.done $0x0  }
0x244: {  	[sflag:s10] =	ssyncadd.s32 $0xFFFFFFC8  }
0x245: {  	v3 =	vld [tilespmem:$0x0];
	_ =	sdelay $0x4  }
0x246: {  	v51 =	vshll.u32 v3, $0x3  }
0x247: {  	v3 =	vand.u32 $0x7, v3;
	v4 =	vand.u32 $0xFFFFFFC0, v51  }
0x248: {  	v3 =	vor.u32 v3, v4  }
0x249: {  	v4 =	vperm.xlane v3, v0;
	_ =	sdelay $0x1  }
0x24a: {  	v4 =	vadd.s32 v1, v4;
	_ =	sdelay $0x4  }
0x24b: {  	[tilespmem:s11], [sflag:$0x4] =	stream.indirect_vreg.gather [hbm4b:s2+s3], $0x80, v4, vm0, $0xb8;
	[tilespmem:$0x1E180] =	vst v63  }
0x24c: {  	s23 =	simm.s32 $0x980;
	v3 =	vperm.xlane v3, v2  }
0x24d: {  	[tilespmem:s23], [sflag:$0x4] =	stream.indirect_vreg.gather [hbm4b:s5+s3], $0x80, v4, vm0, $0xb8;
	[tilespmem:$0x1E180] =	vst v63  }
0x24e: {  	v3 =	vadd.s32 v1, v3;
	s11 =	simm.s32 $0x1180  }
0x24f: {  	[tilespmem:s11], [sflag:$0x4] =	stream.indirect_vreg.gather [hbm4b:s6+s3], $0x80, v4, vm0, $0xb8;
	[tilespmem:$0x1E180] =	vst v63  }
0x250: {  	s22 =	simm.s32 $0x1980  }
0x251: {  	[tilespmem:s22], [sflag:$0x4] =	stream.indirect_vreg.gather [hbm4b:s7+s3], $0x80, v4, vm0, $0xb8;
	[tilespmem:$0x1E180] =	vst v63  }
0x252: {  	s9 =	simm.s32 $0x2180  }
0x253: {  	[tilespmem:s9], [sflag:$0x4] =	stream.indirect_vreg.gather [hbm4b:s2+s3], $0x80, v3, vm0, $0xb8;
	[tilespmem:$0x1E180] =	vst v63  }
0x254: {  	s11 =	simm.s32 $0x2980  }
0x255: {  	[tilespmem:s11], [sflag:$0x4] =	stream.indirect_vreg.gather [hbm4b:s5+s3], $0x80, v3, vm0, $0xb8;
	[tilespmem:$0x1E180] =	vst v63  }
0x256: {  	s23 =	simm.s32 $0x3180  }
0x257: {  	[tilespmem:s23], [sflag:$0x4] =	stream.indirect_vreg.gather [hbm4b:s6+s3], $0x80, v3, vm0, $0xb8;
	[tilespmem:$0x1E180] =	vst v63  }
0x258: {  	s23 =	simm.s32 $0x3980  }
0x259: {  	[tilespmem:s23], [sflag:$0x4] =	stream.indirect_vreg.gather [hbm4b:s7+s3], $0x80, v3, vm0, $0xb8;
	[tilespmem:$0x1E180] =	vst v63  }
0x25a: {  	v3 =	vld [tilespmem:$0x10];
	_ =	sdelay $0x4  }
0x25b: {  	v52 =	vshll.u32 v3, $0x3  }
0x25c: {  	v3 =	vand.u32 $0x7, v3;
	v4 =	vand.u32 $0xFFFFFFC0, v52  }
0x25d: {  	v3 =	vor.u32 v3, v4  }
0x25e: {  	v4 =	vperm.xlane v3, v0;
	_ =	sdelay $0x1  }
0x25f: {  	v4 =	vadd.s32 v1, v4;
	_ =	sdelay $0x3  }
0x260: {  	s23 =	simm.s32 $0x4180  }
0x261: {  	[tilespmem:s23], [sflag:$0x4] =	stream.indirect_vreg.gather [hbm4b:s2+s3], $0x80, v4, vm0, $0xb8;
	[tilespmem:$0x1E180] =	vst v63  }
0x262: {  	v3 =	vperm.xlane v3, v2;
	s23 =	simm.s32 $0x4980  }
0x263: {  	[tilespmem:s23], [sflag:$0x4] =	stream.indirect_vreg.gather [hbm4b:s5+s3], $0x80, v4, vm0, $0xb8;
	[tilespmem:$0x1E180] =	vst v63  }
0x264: {  	v3 =	vadd.s32 v1, v3;
	s23 =	simm.s32 $0x5180  }
0x265: {  	[tilespmem:s23], [sflag:$0x4] =	stream.indirect_vreg.gather [hbm4b:s6+s3], $0x80, v4, vm0, $0xb8;
	[tilespmem:$0x1E180] =	vst v63  }
0x266: {  	s23 =	simm.s32 $0x5980  }
0x267: {  	[tilespmem:s23], [sflag:$0x4] =	stream.indirect_vreg.gather [hbm4b:s7+s3], $0x80, v4, vm0, $0xb8;
	[tilespmem:$0x1E180] =	vst v63  }
0x268: {  	s23 =	simm.s32 $0x6180  }
0x269: {  	[tilespmem:s23], [sflag:$0x4] =	stream.indirect_vreg.gather [hbm4b:s2+s3], $0x80, v3, vm0, $0xb8;
	[tilespmem:$0x1E180] =	vst v63  }
0x26a: {  	s23 =	simm.s32 $0x6980  }
0x26b: {  	[tilespmem:s23], [sflag:$0x4] =	stream.indirect_vreg.gather [hbm4b:s5+s3], $0x80, v3, vm0, $0xb8;
	[tilespmem:$0x1E180] =	vst v63  }
0x26c: {  	s23 =	simm.s32 $0x7180  }
0x26d: {  	[tilespmem:s23], [sflag:$0x4] =	stream.indirect_vreg.gather [hbm4b:s6+s3], $0x80, v3, vm0, $0xb8;
	[tilespmem:$0x1E180] =	vst v63  }
0x26e: {  	s23 =	simm.s32 $0x7980  }
0x26f: {  	[tilespmem:s23], [sflag:$0x4] =	stream.indirect_vreg.gather [hbm4b:s7+s3], $0x80, v3, vm0, $0xb8;
	[tilespmem:$0x1E180] =	vst v63  }
0x270: {  	v3 =	vld [tilespmem:$0x20];
	_ =	sdelay $0x4  }
0x271: {  	v53 =	vshll.u32 v3, $0x3  }
0x272: {  	v3 =	vand.u32 $0x7, v3;
	v4 =	vand.u32 $0xFFFFFFC0, v53  }
0x273: {  	v3 =	vor.u32 v3, v4  }
0x274: {  	v4 =	vperm.xlane v3, v0;
	_ =	sdelay $0x1  }
0x275: {  	v4 =	vadd.s32 v1, v4;
	_ =	sdelay $0x3  }
0x276: {  	s23 =	simm.s32 $0x8180  }
0x277: {  	[tilespmem:s23], [sflag:$0x4] =	stream.indirect_vreg.gather [hbm4b:s2+s3], $0x80, v4, vm0, $0xb8;
	[tilespmem:$0x1E180] =	vst v63  }
0x278: {  	v3 =	vperm.xlane v3, v2;
	s23 =	simm.s32 $0x8980  }
0x279: {  	[tilespmem:s23], [sflag:$0x4] =	stream.indirect_vreg.gather [hbm4b:s5+s3], $0x80, v4, vm0, $0xb8;
	[tilespmem:$0x1E180] =	vst v63  }
0x27a: {  	v3 =	vadd.s32 v1, v3;
	s23 =	simm.s32 $0x9180  }
0x27b: {  	[tilespmem:s23], [sflag:$0x4] =	stream.indirect_vreg.gather [hbm4b:s6+s3], $0x80, v4, vm0, $0xb8;
	[tilespmem:$0x1E180] =	vst v63  }
0x27c: {  	s23 =	simm.s32 $0x9980  }
0x27d: {  	[tilespmem:s23], [sflag:$0x4] =	stream.indirect_vreg.gather [hbm4b:s7+s3], $0x80, v4, vm0, $0xb8;
	[tilespmem:$0x1E180] =	vst v63  }
0x27e: {  	s23 =	simm.s32 $0xA180  }
0x27f: {  	[tilespmem:s23], [sflag:$0x4] =	stream.indirect_vreg.gather [hbm4b:s2+s3], $0x80, v3, vm0, $0xb8;
	[tilespmem:$0x1E180] =	vst v63  }
0x280: {  	s23 =	simm.s32 $0xA980  }
0x281: {  	[tilespmem:s23], [sflag:$0x4] =	stream.indirect_vreg.gather [hbm4b:s5+s3], $0x80, v3, vm0, $0xb8;
	[tilespmem:$0x1E180] =	vst v63  }
0x282: {  	s23 =	simm.s32 $0xB180  }
0x283: {  	[tilespmem:s23], [sflag:$0x4] =	stream.indirect_vreg.gather [hbm4b:s6+s3], $0x80, v3, vm0, $0xb8;
	[tilespmem:$0x1E180] =	vst v63  }
0x284: {  	s23 =	simm.s32 $0xB980  }
0x285: {  	[tilespmem:s23], [sflag:$0x4] =	stream.indirect_vreg.gather [hbm4b:s7+s3], $0x80, v3, vm0, $0xb8;
	[tilespmem:$0x1E180] =	vst v63  }
0x286: {  	v3 =	vld.msk [tilespmem:$0x30], $0xff;
	_ =	sdelay $0x4  }
0x287: {  	v54 =	vshll.u32 v3, $0x3  }
0x288: {  	v3 =	vand.u32 $0x7, v3;
	v4 =	vand.u32 $0xFFFFFFC0, v54  }
0x289: {  	v3 =	vor.u32 v3, v4  }
0x28a: {  	v3 =	vperm.xlane v3, v0;
	_ =	sdelay $0x1  }
0x28b: {  	v3 =	vadd.s32 v1, v3;
	_ =	sdelay $0x3  }
0x28c: {  	s23 =	simm.s32 $0xC180  }
0x28d: {  	[tilespmem:s23], [sflag:$0x4] =	stream.indirect_vreg.gather [hbm4b:s2+s3], $0x80, v3, vm0, $0xb8;
	[tilespmem:$0x1E180] =	vst v63  }
0x28e: {  	s23 =	simm.s32 $0xC980  }
0x28f: {  	[tilespmem:s23], [sflag:$0x4] =	stream.indirect_vreg.gather [hbm4b:s5+s3], $0x80, v3, vm0, $0xb8;
	[tilespmem:$0x1E180] =	vst v63  }
0x290: {  	s23 =	simm.s32 $0xD180  }
0x291: {  	[tilespmem:s23], [sflag:$0x4] =	stream.indirect_vreg.gather [hbm4b:s6+s3], $0x80, v3, vm0, $0xb8;
	[tilespmem:$0x1E180] =	vst v63  }
0x292: {  	s23 =	simm.s32 $0xD980  }
0x293: {  	[tilespmem:s23], [sflag:$0x4] =	stream.indirect_vreg.gather [hbm4b:s7+s3], $0x80, v3, vm0, $0xb8;
	[tilespmem:$0x1E180] =	vst v63  }
0x294: {  	_ =	swait.ge [sflag:s20], $0xE000  }
0x295: {  	[sflag:s20] =	ssyncset.done $0x0  }
0x296: {  	s16 =	simm.s32 $0x80;
	s22 =	rddreg [dreg:$0x10];
	[sflag:s20] =	ssyncadd.s32 $0xFFFF2000  }
0x297: {  	[tilespmem:s16], [sflag:$0x2] =	stream.linear.gather [hbm4b:s22+s3], $0x38, $0x38;
	[tilespmem:$0x1E180] =	vst v63  }
0x298: {  	s23 =	rddreg [dreg:$0x11];
	s22 =	simm.s32 $0xE180  }
0x299: {  	[hbm4b:s23+s3] =	stream.linear.scatter [tilespmem:s22], [sflag:$0x7], $0xE000, $0x38;
	[tilespmem:$0x1E180] =	vst v63  }
0x29a: {  	_ =	swait.ge [sflag:s21], $0xE000  }
0x29b: {  	[sflag:s21] =	ssyncset.done $0x0  }
0x29c: {  	[sflag:s21] =	ssyncadd.s32 $0xFFFF2000  }
0x29d: {  	_ =	swait.ge [sflag:s0], $0x38  }
0x29e: {  	[sflag:s0] =	ssyncset.done $0x0  }
0x29f: {  	[sflag:s0] =	ssyncadd.s32 $0xFFFFFFC8  }
0x2a0: {  	v3 =	vld [tilespmem:$0x80];
	_ =	sdelay $0x4  }
0x2a1: {  	v55 =	vshll.u32 v3, $0x3  }
0x2a2: {  	v3 =	vand.u32 $0x7, v3;
	v4 =	vand.u32 $0xFFFFFFC0, v55  }
0x2a3: {  	v3 =	vor.u32 v3, v4  }
0x2a4: {  	v4 =	vperm.xlane v3, v0;
	_ =	sdelay $0x1  }
0x2a5: {  	v4 =	vadd.s32 v1, v4;
	_ =	sdelay $0x4  }
0x2a6: {  	[tilespmem:s22], [sflag:$0x5] =	stream.indirect_vreg.gather [hbm4b:s2+s3], $0x80, v4, vm0, $0xb8;
	[tilespmem:$0x1E180] =	vst v63  }
0x2a7: {  	s23 =	simm.s32 $0xE980;
	v3 =	vperm.xlane v3, v2  }
0x2a8: {  	[tilespmem:s23], [sflag:$0x5] =	stream.indirect_vreg.gather [hbm4b:s5+s3], $0x80, v4, vm0, $0xb8;
	[tilespmem:$0x1E180] =	vst v63  }
0x2a9: {  	s24 =	simm.s32 $0xF180;
	v3 =	vadd.s32 v1, v3  }
0x2aa: {  	[tilespmem:s24], [sflag:$0x5] =	stream.indirect_vreg.gather [hbm4b:s6+s3], $0x80, v4, vm0, $0xb8;
	[tilespmem:$0x1E180] =	vst v63  }
0x2ab: {  	s24 =	simm.s32 $0xF980  }
0x2ac: {  	[tilespmem:s24], [sflag:$0x5] =	stream.indirect_vreg.gather [hbm4b:s7+s3], $0x80, v4, vm0, $0xb8;
	[tilespmem:$0x1E180] =	vst v63  }
0x2ad: {  	s22 =	simm.s32 $0x10180  }
0x2ae: {  	[tilespmem:s22], [sflag:$0x5] =	stream.indirect_vreg.gather [hbm4b:s2+s3], $0x80, v3, vm0, $0xb8;
	[tilespmem:$0x1E180] =	vst v63  }
0x2af: {  	s25 =	simm.s32 $0x10980  }
0x2b0: {  	[tilespmem:s25], [sflag:$0x5] =	stream.indirect_vreg.gather [hbm4b:s5+s3], $0x80, v3, vm0, $0xb8;
	[tilespmem:$0x1E180] =	vst v63  }
0x2b1: {  	_ = 	snop  }
0x2b2: {  	[tilespmem:s1], [sflag:$0x5] =	stream.indirect_vreg.gather [hbm4b:s6+s3], $0x80, v3, vm0, $0xb8;
	[tilespmem:$0x1E180] =	vst v63  }
0x2b3: {  	s23 =	simm.s32 $0x11980  }
0x2b4: {  	[tilespmem:s23], [sflag:$0x5] =	stream.indirect_vreg.gather [hbm4b:s7+s3], $0x80, v3, vm0, $0xb8;
	[tilespmem:$0x1E180] =	vst v63  }
0x2b5: {  	v3 =	vld [tilespmem:$0x90];
	_ =	sdelay $0x4  }
0x2b6: {  	v56 =	vshll.u32 v3, $0x3  }
0x2b7: {  	v3 =	vand.u32 $0x7, v3;
	v4 =	vand.u32 $0xFFFFFFC0, v56  }
0x2b8: {  	v3 =	vor.u32 v3, v4  }
0x2b9: {  	v4 =	vperm.xlane v3, v0;
	_ =	sdelay $0x1  }
0x2ba: {  	v4 =	vadd.s32 v1, v4;
	_ =	sdelay $0x3  }
0x2bb: {  	s24 =	simm.s32 $0x12180  }
0x2bc: {  	[tilespmem:s24], [sflag:$0x5] =	stream.indirect_vreg.gather [hbm4b:s2+s3], $0x80, v4, vm0, $0xb8;
	[tilespmem:$0x1E180] =	vst v63  }
0x2bd: {  	s25 =	simm.s32 $0x12980;
	v3 =	vperm.xlane v3, v2  }
0x2be: {  	[tilespmem:s25], [sflag:$0x5] =	stream.indirect_vreg.gather [hbm4b:s5+s3], $0x80, v4, vm0, $0xb8;
	[tilespmem:$0x1E180] =	vst v63  }
0x2bf: {  	v3 =	vadd.s32 v1, v3  }
0x2c0: {  	[tilespmem:s15], [sflag:$0x5] =	stream.indirect_vreg.gather [hbm4b:s6+s3], $0x80, v4, vm0, $0xb8;
	[tilespmem:$0x1E180] =	vst v63  }
0x2c1: {  	_ = 	snop  }
0x2c2: {  	[tilespmem:s17], [sflag:$0x5] =	stream.indirect_vreg.gather [hbm4b:s7+s3], $0x80, v4, vm0, $0xb8;
	[tilespmem:$0x1E180] =	vst v63  }
0x2c3: {  	s26 =	simm.s32 $0x14180  }
0x2c4: {  	[tilespmem:s26], [sflag:$0x5] =	stream.indirect_vreg.gather [hbm4b:s2+s3], $0x80, v3, vm0, $0xb8;
	[tilespmem:$0x1E180] =	vst v63  }
0x2c5: {  	_ = 	snop  }
0x2c6: {  	[tilespmem:s4], [sflag:$0x5] =	stream.indirect_vreg.gather [hbm4b:s5+s3], $0x80, v3, vm0, $0xb8;
	[tilespmem:$0x1E180] =	vst v63  }
0x2c7: {  	_ = 	snop  }
0x2c8: {  	[tilespmem:s12], [sflag:$0x5] =	stream.indirect_vreg.gather [hbm4b:s6+s3], $0x80, v3, vm0, $0xb8;
	[tilespmem:$0x1E180] =	vst v63  }
0x2c9: {  	s16 =	simm.s32 $0x15980  }
0x2ca: {  	[tilespmem:s16], [sflag:$0x5] =	stream.indirect_vreg.gather [hbm4b:s7+s3], $0x80, v3, vm0, $0xb8;
	[tilespmem:$0x1E180] =	vst v63  }
0x2cb: {  	v3 =	vld [tilespmem:$0xA0];
	_ =	sdelay $0x4  }
0x2cc: {  	v57 =	vshll.u32 v3, $0x3  }
0x2cd: {  	v3 =	vand.u32 $0x7, v3;
	v4 =	vand.u32 $0xFFFFFFC0, v57  }
0x2ce: {  	v3 =	vor.u32 v3, v4  }
0x2cf: {  	v4 =	vperm.xlane v3, v0;
	_ =	sdelay $0x1  }
0x2d0: {  	v4 =	vadd.s32 v1, v4;
	_ =	sdelay $0x3  }
0x2d1: {  	s17 =	simm.s32 $0x16180  }
0x2d2: {  	[tilespmem:s17], [sflag:$0x5] =	stream.indirect_vreg.gather [hbm4b:s2+s3], $0x80, v4, vm0, $0xb8;
	[tilespmem:$0x1E180] =	vst v63  }
0x2d3: {  	s22 =	simm.s32 $0x16980;
	v3 =	vperm.xlane v3, v2  }
0x2d4: {  	[tilespmem:s22], [sflag:$0x5] =	stream.indirect_vreg.gather [hbm4b:s5+s3], $0x80, v4, vm0, $0xb8;
	[tilespmem:$0x1E180] =	vst v63  }
0x2d5: {  	v3 =	vadd.s32 v1, v3  }
0x2d6: {  	[tilespmem:s13], [sflag:$0x5] =	stream.indirect_vreg.gather [hbm4b:s6+s3], $0x80, v4, vm0, $0xb8;
	[tilespmem:$0x1E180] =	vst v63  }
0x2d7: {  	_ = 	snop  }
0x2d8: {  	[tilespmem:s14], [sflag:$0x5] =	stream.indirect_vreg.gather [hbm4b:s7+s3], $0x80, v4, vm0, $0xb8;
	[tilespmem:$0x1E180] =	vst v63  }
0x2d9: {  	s28 =	simm.s32 $0x18180  }
0x2da: {  	[tilespmem:s28], [sflag:$0x5] =	stream.indirect_vreg.gather [hbm4b:s2+s3], $0x80, v3, vm0, $0xb8;
	[tilespmem:$0x1E180] =	vst v63  }
0x2db: {  	s29 =	simm.s32 $0x18980  }
0x2dc: {  	[tilespmem:s29], [sflag:$0x5] =	stream.indirect_vreg.gather [hbm4b:s5+s3], $0x80, v3, vm0, $0xb8;
	[tilespmem:$0x1E180] =	vst v63  }
0x2dd: {  	s30 =	simm.s32 $0x19180  }
0x2de: {  	[tilespmem:s30], [sflag:$0x5] =	stream.indirect_vreg.gather [hbm4b:s6+s3], $0x80, v3, vm0, $0xb8;
	[tilespmem:$0x1E180] =	vst v63  }
0x2df: {  	s23 =	simm.s32 $0x19980  }
0x2e0: {  	[tilespmem:s23], [sflag:$0x5] =	stream.indirect_vreg.gather [hbm4b:s7+s3], $0x80, v3, vm0, $0xb8;
	[tilespmem:$0x1E180] =	vst v63  }
0x2e1: {  	v3 =	vld.msk [tilespmem:$0xB0], $0xff;
	_ =	sdelay $0x4  }
0x2e2: {  	v58 =	vshll.u32 v3, $0x3  }
0x2e3: {  	v3 =	vand.u32 $0x7, v3;
	v4 =	vand.u32 $0xFFFFFFC0, v58  }
0x2e4: {  	v3 =	vor.u32 v3, v4  }
0x2e5: {  	v3 =	vperm.xlane v3, v0;
	_ =	sdelay $0x1  }
0x2e6: {  	v3 =	vadd.s32 v1, v3;
	_ =	sdelay $0x3  }
0x2e7: {  	s31 =	simm.s32 $0x1A180  }
0x2e8: {  	[tilespmem:s31], [sflag:$0x5] =	stream.indirect_vreg.gather [hbm4b:s2+s3], $0x80, v3, vm0, $0xb8;
	[tilespmem:$0x1E180] =	vst v63  }
0x2e9: {  	s24 =	simm.s32 $0x1A980  }
0x2ea: {  	[tilespmem:s24], [sflag:$0x5] =	stream.indirect_vreg.gather [hbm4b:s5+s3], $0x80, v3, vm0, $0xb8;
	[tilespmem:$0x1E180] =	vst v63  }
0x2eb: {  	s25 =	simm.s32 $0x1B180  }
0x2ec: {  	[tilespmem:s25], [sflag:$0x5] =	stream.indirect_vreg.gather [hbm4b:s6+s3], $0x80, v3, vm0, $0xb8;
	[tilespmem:$0x1E180] =	vst v63  }
0x2ed: {  	s26 =	simm.s32 $0x1B980  }
0x2ee: {  	[tilespmem:s26], [sflag:$0x5] =	stream.indirect_vreg.gather [hbm4b:s7+s3], $0x80, v3, vm0, $0xb8;
	[tilespmem:$0x1E180] =	vst v63  }
0x2ef: {  	_ =	swait.ge [sflag:s18], $0xE000  }
0x2f0: {  	[sflag:s18] =	ssyncset.done $0x0  }
0x2f1: {  	s28 =	rddreg [dreg:$0x12];
	[sflag:s18] =	ssyncadd.s32 $0xFFFF2000  }
0x2f2: {  	[tilespmem:s3], [sflag:$0x1] =	stream.linear.gather [hbm4b:s28+s3], $0x38, $0x38;
	[tilespmem:$0x1E180] =	vst v63  }
0x2f3: {  	s30 =	simm.s32 $0x180;
	s29 =	rddreg [dreg:$0x13]  }
0x2f4: {  	[hbm4b:s29+s3] =	stream.linear.scatter [tilespmem:s30], [sflag:$0x6], $0xE000, $0x38;
	[tilespmem:$0x1E180] =	vst v63  }
0x2f5: {  	_ =	swait.ge [sflag:s19], $0xE000  }
0x2f6: {  	[sflag:s19] =	ssyncset.done $0x0  }
0x2f7: {  	[sflag:s19] =	ssyncadd.s32 $0xFFFF2000  }
0x2f8: {  	_ =	swait.ge [sflag:s10], $0x38  }
0x2f9: {  	[sflag:s10] =	ssyncset.done $0x0  }
0x2fa: {  	[sflag:s10] =	ssyncadd.s32 $0xFFFFFFC8  }
0x2fb: {  	v3 =	vld [tilespmem:$0x0];
	_ =	sdelay $0x4  }
0x2fc: {  	v59 =	vshll.u32 v3, $0x3  }
0x2fd: {  	v3 =	vand.u32 $0x7, v3;
	v4 =	vand.u32 $0xFFFFFFC0, v59  }
0x2fe: {  	v3 =	vor.u32 v3, v4  }
0x2ff: {  	v4 =	vperm.xlane v3, v0;
	_ =	sdelay $0x1  }
0x300: {  	v4 =	vadd.s32 v1, v4;
	_ =	sdelay $0x4  }
0x301: {  	[tilespmem:s30], [sflag:$0x4] =	stream.indirect_vreg.gather [hbm4b:s2+s3], $0x80, v4, vm0, $0xb8;
	[tilespmem:$0x1E180] =	vst v63  }
0x302: {  	s31 =	simm.s32 $0x980;
	v3 =	vperm.xlane v3, v2  }
0x303: {  	[tilespmem:s31], [sflag:$0x4] =	stream.indirect_vreg.gather [hbm4b:s5+s3], $0x80, v4, vm0, $0xb8;
	[tilespmem:$0x1E180] =	vst v63  }
0x304: {  	s4 =	simm.s32 $0x1180;
	v3 =	vadd.s32 v1, v3  }
0x305: {  	[tilespmem:s4], [sflag:$0x4] =	stream.indirect_vreg.gather [hbm4b:s6+s3], $0x80, v4, vm0, $0xb8;
	[tilespmem:$0x1E180] =	vst v63  }
0x306: {  	s12 =	simm.s32 $0x1980  }
0x307: {  	[tilespmem:s12], [sflag:$0x4] =	stream.indirect_vreg.gather [hbm4b:s7+s3], $0x80, v4, vm0, $0xb8;
	[tilespmem:$0x1E180] =	vst v63  }
0x308: {  	_ = 	snop  }
0x309: {  	[tilespmem:s9], [sflag:$0x4] =	stream.indirect_vreg.gather [hbm4b:s2+s3], $0x80, v3, vm0, $0xb8;
	[tilespmem:$0x1E180] =	vst v63  }
0x30a: {  	_ = 	snop  }
0x30b: {  	[tilespmem:s11], [sflag:$0x4] =	stream.indirect_vreg.gather [hbm4b:s5+s3], $0x80, v3, vm0, $0xb8;
	[tilespmem:$0x1E180] =	vst v63  }
0x30c: {  	s13 =	simm.s32 $0x3180  }
0x30d: {  	[tilespmem:s13], [sflag:$0x4] =	stream.indirect_vreg.gather [hbm4b:s6+s3], $0x80, v3, vm0, $0xb8;
	[tilespmem:$0x1E180] =	vst v63  }
0x30e: {  	s14 =	simm.s32 $0x3980  }
0x30f: {  	[tilespmem:s14], [sflag:$0x4] =	stream.indirect_vreg.gather [hbm4b:s7+s3], $0x80, v3, vm0, $0xb8;
	[tilespmem:$0x1E180] =	vst v63  }
0x310: {  	v3 =	vld [tilespmem:$0x10];
	_ =	sdelay $0x4  }
0x311: {  	v60 =	vshll.u32 v3, $0x3  }
0x312: {  	v3 =	vand.u32 $0x7, v3;
	v4 =	vand.u32 $0xFFFFFFC0, v60  }
0x313: {  	v3 =	vor.u32 v3, v4  }
0x314: {  	v4 =	vperm.xlane v3, v0;
	_ =	sdelay $0x1  }
0x315: {  	v4 =	vadd.s32 v1, v4;
	_ =	sdelay $0x3  }
0x316: {  	s15 =	simm.s32 $0x4180  }
0x317: {  	[tilespmem:s15], [sflag:$0x4] =	stream.indirect_vreg.gather [hbm4b:s2+s3], $0x80, v4, vm0, $0xb8;
	[tilespmem:$0x1E180] =	vst v63  }
0x318: {  	s17 =	simm.s32 $0x4980;
	v3 =	vperm.xlane v3, v2  }
0x319: {  	[tilespmem:s17], [sflag:$0x4] =	stream.indirect_vreg.gather [hbm4b:s5+s3], $0x80, v4, vm0, $0xb8;
	[tilespmem:$0x1E180] =	vst v63  }
0x31a: {  	s22 =	simm.s32 $0x5180;
	v3 =	vadd.s32 v1, v3  }
0x31b: {  	[tilespmem:s22], [sflag:$0x4] =	stream.indirect_vreg.gather [hbm4b:s6+s3], $0x80, v4, vm0, $0xb8;
	[tilespmem:$0x1E180] =	vst v63  }
0x31c: {  	s23 =	simm.s32 $0x5980  }
0x31d: {  	[tilespmem:s23], [sflag:$0x4] =	stream.indirect_vreg.gather [hbm4b:s7+s3], $0x80, v4, vm0, $0xb8;
	[tilespmem:$0x1E180] =	vst v63  }
0x31e: {  	s24 =	simm.s32 $0x6180  }
0x31f: {  	[tilespmem:s24], [sflag:$0x4] =	stream.indirect_vreg.gather [hbm4b:s2+s3], $0x80, v3, vm0, $0xb8;
	[tilespmem:$0x1E180] =	vst v63  }
0x320: {  	s25 =	simm.s32 $0x6980  }
0x321: {  	[tilespmem:s25], [sflag:$0x4] =	stream.indirect_vreg.gather [hbm4b:s5+s3], $0x80, v3, vm0, $0xb8;
	[tilespmem:$0x1E180] =	vst v63  }
0x322: {  	s26 =	simm.s32 $0x7180  }
0x323: {  	[tilespmem:s26], [sflag:$0x4] =	stream.indirect_vreg.gather [hbm4b:s6+s3], $0x80, v3, vm0, $0xb8;
	[tilespmem:$0x1E180] =	vst v63  }
0x324: {  	s28 =	simm.s32 $0x7980  }
0x325: {  	[tilespmem:s28], [sflag:$0x4] =	stream.indirect_vreg.gather [hbm4b:s7+s3], $0x80, v3, vm0, $0xb8;
	[tilespmem:$0x1E180] =	vst v63  }
0x326: {  	v3 =	vld [tilespmem:$0x20];
	_ =	sdelay $0x4  }
0x327: {  	v61 =	vshll.u32 v3, $0x3  }
0x328: {  	v3 =	vand.u32 $0x7, v3;
	v4 =	vand.u32 $0xFFFFFFC0, v61  }
0x329: {  	v3 =	vor.u32 v3, v4  }
0x32a: {  	v4 =	vperm.xlane v3, v0;
	_ =	sdelay $0x1  }
0x32b: {  	v4 =	vadd.s32 v1, v4;
	_ =	sdelay $0x3  }
0x32c: {  	s29 =	simm.s32 $0x8180  }
0x32d: {  	[tilespmem:s29], [sflag:$0x4] =	stream.indirect_vreg.gather [hbm4b:s2+s3], $0x80, v4, vm0, $0xb8;
	[tilespmem:$0x1E180] =	vst v63  }
0x32e: {  	s30 =	simm.s32 $0x8980;
	v3 =	vperm.xlane v3, v2  }
0x32f: {  	[tilespmem:s30], [sflag:$0x4] =	stream.indirect_vreg.gather [hbm4b:s5+s3], $0x80, v4, vm0, $0xb8;
	[tilespmem:$0x1E180] =	vst v63  }
0x330: {  	s31 =	simm.s32 $0x9180;
	v3 =	vadd.s32 v1, v3  }
0x331: {  	[tilespmem:s31], [sflag:$0x4] =	stream.indirect_vreg.gather [hbm4b:s6+s3], $0x80, v4, vm0, $0xb8;
	[tilespmem:$0x1E180] =	vst v63  }
0x332: {  	s4 =	simm.s32 $0x9980  }
0x333: {  	[tilespmem:s4], [sflag:$0x4] =	stream.indirect_vreg.gather [hbm4b:s7+s3], $0x80, v4, vm0, $0xb8;
	[tilespmem:$0x1E180] =	vst v63  }
0x334: {  	s9 =	simm.s32 $0xA180  }
0x335: {  	[tilespmem:s9], [sflag:$0x4] =	stream.indirect_vreg.gather [hbm4b:s2+s3], $0x80, v3, vm0, $0xb8;
	[tilespmem:$0x1E180] =	vst v63  }
0x336: {  	s11 =	simm.s32 $0xA980  }
0x337: {  	[tilespmem:s11], [sflag:$0x4] =	stream.indirect_vreg.gather [hbm4b:s5+s3], $0x80, v3, vm0, $0xb8;
	[tilespmem:$0x1E180] =	vst v63  }
0x338: {  	s12 =	simm.s32 $0xB180  }
0x339: {  	[tilespmem:s12], [sflag:$0x4] =	stream.indirect_vreg.gather [hbm4b:s6+s3], $0x80, v3, vm0, $0xb8;
	[tilespmem:$0x1E180] =	vst v63  }
0x33a: {  	s13 =	simm.s32 $0xB980  }
0x33b: {  	[tilespmem:s13], [sflag:$0x4] =	stream.indirect_vreg.gather [hbm4b:s7+s3], $0x80, v3, vm0, $0xb8;
	[tilespmem:$0x1E180] =	vst v63  }
0x33c: {  	v3 =	vld.msk [tilespmem:$0x30], $0xff;
	_ =	sdelay $0x4  }
0x33d: {  	v62 =	vshll.u32 v3, $0x3  }
0x33e: {  	v3 =	vand.u32 $0x7, v3;
	v4 =	vand.u32 $0xFFFFFFC0, v62  }
0x33f: {  	v3 =	vor.u32 v3, v4  }
0x340: {  	v3 =	vperm.xlane v3, v0;
	_ =	sdelay $0x1  }
0x341: {  	v3 =	vadd.s32 v1, v3;
	_ =	sdelay $0x3  }
0x342: {  	s14 =	simm.s32 $0xC180  }
0x343: {  	[tilespmem:s14], [sflag:$0x4] =	stream.indirect_vreg.gather [hbm4b:s2+s3], $0x80, v3, vm0, $0xb8;
	[tilespmem:$0x1E180] =	vst v63  }
0x344: {  	s15 =	simm.s32 $0xC980  }
0x345: {  	[tilespmem:s15], [sflag:$0x4] =	stream.indirect_vreg.gather [hbm4b:s5+s3], $0x80, v3, vm0, $0xb8;
	[tilespmem:$0x1E180] =	vst v63  }
0x346: {  	s17 =	simm.s32 $0xD180  }
0x347: {  	[tilespmem:s17], [sflag:$0x4] =	stream.indirect_vreg.gather [hbm4b:s6+s3], $0x80, v3, vm0, $0xb8;
	[tilespmem:$0x1E180] =	vst v63  }
0x348: {  	s22 =	simm.s32 $0xD980  }
0x349: {  	[tilespmem:s22], [sflag:$0x4] =	stream.indirect_vreg.gather [hbm4b:s7+s3], $0x80, v3, vm0, $0xb8;
	[tilespmem:$0x1E180] =	vst v63  }
0x34a: {  	_ =	swait.ge [sflag:s20], $0xE000  }
0x34b: {  	[sflag:s20] =	ssyncset.done $0x0  }
0x34c: {  	s0 =	simm.s32 $0xE180;
	s23 =	rddreg [dreg:$0x14];
	[sflag:s20] =	ssyncadd.s32 $0xFFFF2000  }
0x34d: {  	[hbm4b:s23+s3] =	stream.linear.scatter [tilespmem:s0], [sflag:$0x7], $0xE000, $0x38;
	[tilespmem:$0x1E180] =	vst v63  }
0x34e: {  	_ =	swait.ge [sflag:s21], $0xE000  }
0x34f: {  	[sflag:s21] =	ssyncset.done $0x0  }
0x350: {  	s24 =	simm.s32 $0x3;
	[sflag:s21] =	ssyncadd.s32 $0xFFFF2000  }
0x351: {  	_ =	swait.ge [sflag:s24], $0x8  }
0x352: {  	[sflag:s24] =	ssyncset.done $0x0  }
0x353: {  	[sflag:s24] =	ssyncadd.s32 $0xFFFFFFF8  }
0x354: {  	v3 =	vld.msk [tilespmem:$0x100], $0xff;
	_ =	sdelay $0x4  }
0x355: {  	v63 =	vshll.u32 v3, $0x3  }
0x356: {  	v3 =	vand.u32 $0x7, v3;
	v4 =	vand.u32 $0xFFFFFFC0, v63  }
0x357: {  	v3 =	vor.u32 v3, v4  }
0x358: {  	v3 =	vperm.xlane v3, v0;
	_ =	sdelay $0x1  }
0x359: {  	v3 =	vadd.s32 v1, v3;
	_ =	sdelay $0x3  }
0x35a: {  	s26 =	simm.s32 $0x1C180  }
0x35b: {  	[tilespmem:s26], [sflag:$0x5] =	stream.indirect_vreg.gather [hbm4b:s2+s3], $0x80, v3, vm0, $0xb8;
	[tilespmem:$0x1E180] =	vst v63  }
0x35c: {  	s25 =	rddreg [dreg:$0x18]  }
0x35d: {  	[tilespmem:s25], [sflag:$0x5] =	stream.indirect_vreg.gather [hbm4b:s5+s3], $0x80, v3, vm0, $0xb8;
	[tilespmem:$0x1E180] =	vst v63  }
0x35e: {  	s28 =	rddreg [dreg:$0x19]  }
0x35f: {  	[tilespmem:s28], [sflag:$0x5] =	stream.indirect_vreg.gather [hbm4b:s6+s3], $0x80, v3, vm0, $0xb8;
	[tilespmem:$0x1E180] =	vst v63  }
0x360: {  	s29 =	rddreg [dreg:$0x1a]  }
0x361: {  	[tilespmem:s29], [sflag:$0x5] =	stream.indirect_vreg.gather [hbm4b:s7+s3], $0x80, v3, vm0, $0xb8;
	[tilespmem:$0x1E180] =	vst v63  }
0x362: {  	_ =	swait.ge [sflag:s18], $0xE000  }
0x363: {  	[sflag:s18] =	ssyncset.done $0x0  }
0x364: {  	s16 =	simm.s32 $0x180;
	s30 =	rddreg [dreg:$0x15];
	[sflag:s18] =	ssyncadd.s32 $0xFFFF2000  }
0x365: {  	[hbm4b:s30+s3] =	stream.linear.scatter [tilespmem:s16], [sflag:$0x6], $0xE000, $0x38;
	[tilespmem:$0x1E180] =	vst v63  }
0x366: {  	_ =	swait.ge [sflag:s20], $0x2000  }
0x367: {  	[sflag:s20] =	ssyncset.done $0x0  }
0x368: {  	s31 =	rddreg [dreg:$0x16];
	[sflag:s20] =	ssyncadd.s32 $0xFFFFE000  }
0x369: {  	[hbm4b:s31+s3] =	stream.linear.scatter [tilespmem:s26], [sflag:$0x7], $0x2000, $0x38;
	[tilespmem:$0x1E180] =	vst v63  }
0x36a: {  	p0 =	sne.s32 s8, $0x1;
	_ =	swait.ge [sflag:s19], $0xE000  }
.Ltmp0:
0x36b: {  	[sflag:s19] =	ssyncset.done $0x0;
	(pc) =	sbr.rel @p0 .LBB2_1-.Ltmp0, $4  }
0x36c: {  	[sflag:s19] =	ssyncadd.s32 $0xFFFF2000  }
0x36d: {  	_ =	swait.ge [sflag:s21], $0x2000  }
0x36e: {  	[sflag:s21] =	ssyncset.done $0x0  }
0x36f: {  	s8 =	sadd.s32 $0xFFFFFFFF, s8;
	[sflag:s21] =	ssyncadd.s32 $0xFFFFE000  }
0x370: {  	_ =	sfence.sel $0x180000  }
0x371: {  	[bflag:$0x0] =	sbarrier.arrive $0xFFFF  }
0x372: {  	_ =	strace $0x90000047  }
0x373: {  	s0 =	stileid.u32;
	[bflag:$0x2] =	sbarrier.arrive $0xFFFF  }
0x374: {  	p0 =	sne.s32 s0, $0x0;
	s0 =	rddreg [dreg:$0x3]  }
0x375: {  	s0 =	sadd.s32 @!p0 $0x100000, s0  }
0x376: {  	[sflag:s0] =	ssyncadd.tile.s32 @!p0 $0x1;
	_ =	shalt  }
.Lfunc_end2:
_tile_overlayer_lowered:
.L_overlay_start_2:
0x377: {  	(tag) =	ssettag $0x2  }
0x378: {  	s0 =	rddreg [dreg:$0x0];
	s2 =	stileid.u32  }
0x379: {  	s1 =	rddreg [dreg:$0x1];
	p0 =	sne.s32 s2, $0x0  }
0x37a: {  	s3 =	rddreg [dreg:$0x2];
	[bflag:$0x3] =	sbarrier.arrive $0xFFFF;
	s2 =	simm.s32 @!p0 $0x1C08  }
0x37b: {  	[timem:s3], [sflag:s2] =	dma.local @!p0 [hbm:s0], s1  }
0x37c: {  	s0 =	simm.s32 @!p0 $0x8  }
0x37d: {  	_ =	swait.ge @!p0 [sflag:s0], s1  }
0x37e: {  	s1 =	ssub.s32 @!p0 $0x0, s1;
	[sflag:s0] =	ssyncset.done @!p0 $0x0  }
0x37f: {  	[sflag:s0] =	ssyncadd.s32 @!p0 s1  }
0x380: {  	[bflag:$0x3] =	sbarrier.arrive $0xFFFF  }
0x381: {  	_ =	shalt  }

</sc_bundles>
